<compile_context>
chip_gen: v7x
topology: tpu7x:2x2x1
jax: 0.10.2.dev20260603
libtpu: 0.0.44.dev20260713+nightly
codegen_flags: <defaults>
</compile_context>

<pallas_src>
import functools

import jax
import jax.numpy as jnp
from jax import lax
from jax.experimental import pallas as pl
from jax.experimental.pallas import tpu as pltpu
from jax.experimental.pallas import tpu_sc as plsc

_NUM_ACTIONS = 27
_MAX_LENGTH = 77
_T5_DIM = 4096
_D = _MAX_LENGTH * _T5_DIM
_NSLICE = 8
_DS = _D // _NSLICE


def _make_sc_kernel(batch):
    info = plsc.get_sparse_core_info()
    nc, ns = info.num_cores, info.num_subcores
    per_t = batch // ns
    npass = _NSLICE // nc
    mesh = plsc.VectorSubcoreMesh(core_axis_name="c", subcore_axis_name="s")

    @functools.partial(
        pl.kernel,
        mesh=mesh,
        out_type=jax.ShapeDtypeStruct((batch, _D), jnp.float32),
        scratch_types=[
            pltpu.VMEM((per_t,), jnp.int32),
            pltpu.VMEM_SHARED((_NUM_ACTIONS, _DS), jnp.float32),
            pltpu.SemaphoreType.DMA,
            pltpu.SemaphoreType.DMA,
        ],
    )
    def k(table_hbm, idx_hbm, out_hbm, idx_v, cache, sem_l, sem_w):
        cid = lax.axis_index("c")
        sid = lax.axis_index("s")
        pltpu.sync_copy(idx_hbm.at[pl.ds(sid * per_t, per_t)], idx_v)

        def one_pass(p, carry):
            s = p * nc + cid

            @pl.when(sid == 0)
            def _load():
                pltpu.async_copy(table_hbm.at[s], cache, sem_l).wait()

            plsc.subcore_barrier()

            def row_group(g, carry2):
                v = idx_v[pl.ds(g * 16, 16)]
                handles = []
                for lane in range(16):
                    a = lax.min(lax.max(v[lane], 0), _NUM_ACTIONS - 1)
                    i = g * 16 + lane
                    handles.append(
                        pltpu.async_copy(
                            cache.at[a],
                            out_hbm.at[sid * per_t + i, pl.ds(s * _DS, _DS)],
                            sem_w,
                        )
                    )
                for h in handles:
                    h.wait()
                return carry2

            lax.fori_loop(0, per_t // 16, row_group, 0)
            plsc.subcore_barrier()
            return carry

        lax.fori_loop(0, npass, one_pass, 0)

    return k


def kernel(indices, embeddings):
    batch = indices.shape[0]
    table3 = jnp.swapaxes(
        embeddings.reshape(_NUM_ACTIONS, _NSLICE, _DS), 0, 1
    )
    out = _make_sc_kernel(batch)(table3, indices.astype(jnp.int32))
    return out.reshape(batch, _MAX_LENGTH, _T5_DIM)

# --- scband reference (transcript-rebuilt; emitter-appended) ---
"""Pipeline reference for scband-precomputed-t5-embedder-44109314130388 (READ-ONLY COPY).

The authoritative reference and input builder live on the scoring server;
editing this copy changes nothing except your own understanding.
"""

import jax, jax.numpy as jnp
import numpy as np

NUM_ACTIONS = 27
MAX_LENGTH = 77
T5_DIM = 4096
BATCH = 4096


def setup_inputs(seed: int = 0) -> dict:
    key = jax.random.key(seed)
    k1, k2 = jax.random.split(key)
    indices = jax.random.randint(k1, (BATCH,), 0, NUM_ACTIONS, dtype=jnp.int64 if jax.config.jax_enable_x64 else jnp.int32)
    embeddings = jax.random.normal(k2, (NUM_ACTIONS, MAX_LENGTH, T5_DIM), dtype=jnp.float32)
    return {"indices": indices, "embeddings": embeddings}


def reference(indices, embeddings):
    # Faithful translation of PrecomputedT5Embedder.forward:
    # text prompts are mapped to integer indices (done on host in the original
    # via action_to_index dict); the tensor computation is a row gather
    # (torch.index_select on dim 0) from the precomputed embedding table.
    filtered_embeddings = jnp.take(embeddings, indices, axis=0)
    return filtered_embeddings

if __name__ == "__main__":
    import jax
    _d = setup_inputs()
    print(jax.jit(kernel)(*tuple(_d.values())))

</pallas_src>

<mosaic_0001>
#map = affine_map<(d0, d1) -> (0, 0, 0)>
#map1 = affine_map<(d0, d1) -> (0)>
#map2 = affine_map<(d0, d1) -> (0, 0)>
module attributes {stable_mosaic.version = 14 : i64} {
  func.func @k(%arg0: i32, %arg1: i32, %arg2: memref<8x27x39424xf32, #tpu.memory_space<hbm>>, %arg3: memref<4096xi32, #tpu.memory_space<hbm>>, %arg4: memref<4096x315392xf32, #tpu.memory_space<hbm>>, %arg5: memref<256xi32, #tpu.memory_space<vmem>>, %arg6: memref<27x39424xf32, #tpu.memory_space<vmem_shared>>, %arg7: memref<!tpu.dma_semaphore, #tpu.memory_space<semaphore_mem>>, %arg8: memref<!tpu.dma_semaphore, #tpu.memory_space<semaphore_mem>>) attributes {dimension_semantics = [#tpu.dimension_semantics<core_parallel>, #tpu.dimension_semantics<subcore_parallel>], iteration_bounds = array<i64: 2, 16>, scalar_prefetch = 0 : i64, scratch_operands = 4 : i64, tpu.core_type = #tpu.core_type<sc_vector_subcore>, window_params = [{transform_indices = #map}, {transform_indices = #map1}, {transform_indices = #map2}]} {
    %mul3A = arith.constant 256 : i32
    %mul3A_0 = arith.muli %arg1, %mul3A : i32
    "tpu.region"() ({
      %run_scoped3A = tpu.sem_alloc : memref<!tpu.dma_semaphore, #tpu.memory_space<semaphore_mem>>
      %dma_start3A = tpu.memref_slice %arg3[%mul3A_0] : memref<4096xi32, #tpu.memory_space<hbm>> -> memref<256xi32, #tpu.memory_space<hbm>>
      %dma_start3A_6 = tpu.memref_slice %arg3[%mul3A_0] : memref<4096xi32, #tpu.memory_space<hbm>> -> memref<256xi32, #tpu.memory_space<hbm>>
      tpu.enqueue_dma source(%dma_start3A_6 : memref<256xi32, #tpu.memory_space<hbm>>) target(%arg5 : memref<256xi32, #tpu.memory_space<vmem>>) target_semaphore(%run_scoped3A : memref<!tpu.dma_semaphore, #tpu.memory_space<semaphore_mem>>)
      %dma_wait3A = tpu.memref_slice %arg3[%mul3A_0] : memref<4096xi32, #tpu.memory_space<hbm>> -> memref<256xi32, #tpu.memory_space<hbm>>
      %dma_wait3A_7 = tpu.memref_slice %arg3[%mul3A_0] : memref<4096xi32, #tpu.memory_space<hbm>> -> memref<256xi32, #tpu.memory_space<hbm>>
      tpu.wait_dma2 semaphore(%run_scoped3A : memref<!tpu.dma_semaphore, #tpu.memory_space<semaphore_mem>>) src(%dma_wait3A_7 : memref<256xi32, #tpu.memory_space<hbm>>) dst(%arg5 : memref<256xi32, #tpu.memory_space<vmem>>)
      tpu.yield
    }) : () -> ()
    %scan3A = arith.constant 0 : i32
    %scan3A_1 = arith.constant 0 : i32
    %scan3A_2 = arith.constant 4 : i32
    %scan3A_3 = arith.addi %scan3A_1, %scan3A_2 : i32
    %scan3A_4 = arith.constant 1 : i32
    scf.for %scan3A_6 = %scan3A_1 to %scan3A_3 step %scan3A_4  : i32 {
      %mul3A_7 = arith.constant 2 : i32
      %mul3A_8 = arith.muli %scan3A_6, %mul3A_7 : i32
      %add3A = arith.addi %mul3A_8, %arg0 : i32
      %eq3A = arith.constant 0 : i32
      %eq3A_9 = arith.cmpi eq, %arg1, %eq3A : i32
      %convert_element_type3A = arith.extui %eq3A_9 : i1 to i32
      %cond3A = arith.constant 0 : i32
      %cond3A_10 = arith.cmpi ne, %convert_element_type3A, %cond3A : i32
      scf.if %cond3A_10 {
        %dma_start3A = arith.constant 0 : i32
        %dma_start3A_18 = arith.constant 0 : i32
        %dma_start3A_19 = tpu.memref_slice %arg2[%add3A, %dma_start3A, %dma_start3A_18] : memref<8x27x39424xf32, #tpu.memory_space<hbm>> -> memref<1x27x39424xf32, #tpu.memory_space<hbm>>
        %dma_start3A_20 = tpu.memref_squeeze %dma_start3A_19 : memref<1x27x39424xf32, #tpu.memory_space<hbm>> -> memref<27x39424xf32, #tpu.memory_space<hbm>>
        tpu.enqueue_dma source(%dma_start3A_20 : memref<27x39424xf32, #tpu.memory_space<hbm>>) target(%arg6 : memref<27x39424xf32, #tpu.memory_space<vmem_shared>>) target_semaphore(%arg7 : memref<!tpu.dma_semaphore, #tpu.memory_space<semaphore_mem>>)
        %dma_wait3A = arith.constant 0 : i32
        %dma_wait3A_21 = arith.constant 0 : i32
        %dma_wait3A_22 = tpu.memref_slice %arg2[%add3A, %dma_wait3A, %dma_wait3A_21] : memref<8x27x39424xf32, #tpu.memory_space<hbm>> -> memref<1x27x39424xf32, #tpu.memory_space<hbm>>
        %dma_wait3A_23 = tpu.memref_squeeze %dma_wait3A_22 : memref<1x27x39424xf32, #tpu.memory_space<hbm>> -> memref<27x39424xf32, #tpu.memory_space<hbm>>
        tpu.wait_dma2 semaphore(%arg7 : memref<!tpu.dma_semaphore, #tpu.memory_space<semaphore_mem>>) src(%dma_wait3A_23 : memref<27x39424xf32, #tpu.memory_space<hbm>>) dst(%arg6 : memref<27x39424xf32, #tpu.memory_space<vmem_shared>>)
      } else {
      }
      %barrier3A = arith.constant 0 : index
      tpu.barrier barrier_id(%barrier3A)
      %scan3A_11 = arith.constant 0 : i32
      %scan3A_12 = arith.constant 0 : i32
      %scan3A_13 = arith.constant 16 : i32
      %scan3A_14 = arith.addi %scan3A_12, %scan3A_13 : i32
      %scan3A_15 = arith.constant 1 : i32
      scf.for %scan3A_18 = %scan3A_12 to %scan3A_14 step %scan3A_15  : i32 {
        %mul3A_19 = arith.constant 16 : i32
        %mul3A_20 = arith.muli %scan3A_18, %mul3A_19 : i32
        %get3A = arith.index_cast %mul3A_20 : i32 to index
        %get3A_21 = tpu.vector_load %arg5[%get3A] {strides = array<i32>} : memref<256xi32, #tpu.memory_space<vmem>>, vector<16xi32>,
        %get3A_22 = vector.shape_cast %get3A_21 : vector<16xi32> to vector<16xi32>
        %slice3A = vector.extract_strided_slice %get3A_22 {offsets = [0], sizes = [1], strides = [1]} : vector<16xi32> to vector<1xi32>
        %squeeze3A = vector.extract %slice3A[0] : i32 from vector<1xi32>
        %max3A = arith.constant 0 : i32
        %max3A_23 = arith.maxsi %squeeze3A, %max3A : i32
        %min3A = arith.constant 26 : i32
        %min3A_24 = arith.minsi %max3A_23, %min3A : i32
        %mul3A_25 = arith.constant 16 : i32
        %mul3A_26 = arith.muli %scan3A_18, %mul3A_25 : i32
        %add3A_27 = arith.constant 0 : i32
        %add3A_28 = arith.addi %mul3A_26, %add3A_27 : i32
        %mul3A_29 = arith.constant 256 : i32
        %mul3A_30 = arith.muli %arg1, %mul3A_29 : i32
        %add3A_31 = arith.addi %mul3A_30, %add3A_28 : i32
        %mul3A_32 = arith.constant 39424 : i32
        %mul3A_33 = arith.muli %add3A, %mul3A_32 : i32
        %dma_start3A = tpu.memref_slice %arg4[%add3A_31, %mul3A_33] : memref<4096x315392xf32, #tpu.memory_space<hbm>> -> memref<1x39424xf32, #tpu.memory_space<hbm>>
        %dma_start3A_34 = tpu.memref_squeeze %dma_start3A : memref<1x39424xf32, #tpu.memory_space<hbm>> -> memref<39424xf32, #tpu.memory_space<hbm>>
        %dma_start3A_35 = arith.constant 0 : i32
        %dma_start3A_36 = tpu.memref_slice %arg6[%min3A_24, %dma_start3A_35] : memref<27x39424xf32, #tpu.memory_space<vmem_shared>> -> memref<1x39424xf32, #tpu.memory_space<vmem_shared>>
        %dma_start3A_37 = tpu.memref_squeeze %dma_start3A_36 : memref<1x39424xf32, #tpu.memory_space<vmem_shared>> -> memref<39424xf32, #tpu.memory_space<vmem_shared>>
        tpu.enqueue_dma source(%dma_start3A_37 : memref<39424xf32, #tpu.memory_space<vmem_shared>>) target(%dma_start3A_34 : memref<39424xf32, #tpu.memory_space<hbm>>) target_semaphore(%arg8 : memref<!tpu.dma_semaphore, #tpu.memory_space<semaphore_mem>>)
        %slice3A_38 = vector.extract_strided_slice %get3A_22 {offsets = [1], sizes = [1], strides = [1]} : vector<16xi32> to vector<1xi32>
        %squeeze3A_39 = vector.extract %slice3A_38[0] : i32 from vector<1xi32>
        %max3A_40 = arith.constant 0 : i32
        %max3A_41 = arith.maxsi %squeeze3A_39, %max3A_40 : i32
        %min3A_42 = arith.constant 26 : i32
        %min3A_43 = arith.minsi %max3A_41, %min3A_42 : i32
        %mul3A_44 = arith.constant 16 : i32
        %mul3A_45 = arith.muli %scan3A_18, %mul3A_44 : i32
        %add3A_46 = arith.constant 1 : i32
        %add3A_47 = arith.addi %mul3A_45, %add3A_46 : i32
        %mul3A_48 = arith.constant 256 : i32
        %mul3A_49 = arith.muli %arg1, %mul3A_48 : i32
        %add3A_50 = arith.addi %mul3A_49, %add3A_47 : i32
        %mul3A_51 = arith.constant 39424 : i32
        %mul3A_52 = arith.muli %add3A, %mul3A_51 : i32
        %dma_start3A_53 = tpu.memref_slice %arg4[%add3A_50, %mul3A_52] : memref<4096x315392xf32, #tpu.memory_space<hbm>> -> memref<1x39424xf32, #tpu.memory_space<hbm>>
        %dma_start3A_54 = tpu.memref_squeeze %dma_start3A_53 : memref<1x39424xf32, #tpu.memory_space<hbm>> -> memref<39424xf32, #tpu.memory_space<hbm>>
        %dma_start3A_55 = arith.constant 0 : i32
        %dma_start3A_56 = tpu.memref_slice %arg6[%min3A_43, %dma_start3A_55] : memref<27x39424xf32, #tpu.memory_space<vmem_shared>> -> memref<1x39424xf32, #tpu.memory_space<vmem_shared>>
        %dma_start3A_57 = tpu.memref_squeeze %dma_start3A_56 : memref<1x39424xf32, #tpu.memory_space<vmem_shared>> -> memref<39424xf32, #tpu.memory_space<vmem_shared>>
        tpu.enqueue_dma source(%dma_start3A_57 : memref<39424xf32, #tpu.memory_space<vmem_shared>>) target(%dma_start3A_54 : memref<39424xf32, #tpu.memory_space<hbm>>) target_semaphore(%arg8 : memref<!tpu.dma_semaphore, #tpu.memory_space<semaphore_mem>>)
        %slice3A_58 = vector.extract_strided_slice %get3A_22 {offsets = [2], sizes = [1], strides = [1]} : vector<16xi32> to vector<1xi32>
        %squeeze3A_59 = vector.extract %slice3A_58[0] : i32 from vector<1xi32>
        %max3A_60 = arith.constant 0 : i32
        %max3A_61 = arith.maxsi %squeeze3A_59, %max3A_60 : i32
        %min3A_62 = arith.constant 26 : i32
        %min3A_63 = arith.minsi %max3A_61, %min3A_62 : i32
        %mul3A_64 = arith.constant 16 : i32
        %mul3A_65 = arith.muli %scan3A_18, %mul3A_64 : i32
        %add3A_66 = arith.constant 2 : i32
        %add3A_67 = arith.addi %mul3A_65, %add3A_66 : i32
        %mul3A_68 = arith.constant 256 : i32
        %mul3A_69 = arith.muli %arg1, %mul3A_68 : i32
        %add3A_70 = arith.addi %mul3A_69, %add3A_67 : i32
        %mul3A_71 = arith.constant 39424 : i32
        %mul3A_72 = arith.muli %add3A, %mul3A_71 : i32
        %dma_start3A_73 = tpu.memref_slice %arg4[%add3A_70, %mul3A_72] : memref<4096x315392xf32, #tpu.memory_space<hbm>> -> memref<1x39424xf32, #tpu.memory_space<hbm>>
        %dma_start3A_74 = tpu.memref_squeeze %dma_start3A_73 : memref<1x39424xf32, #tpu.memory_space<hbm>> -> memref<39424xf32, #tpu.memory_space<hbm>>
        %dma_start3A_75 = arith.constant 0 : i32
        %dma_start3A_76 = tpu.memref_slice %arg6[%min3A_63, %dma_start3A_75] : memref<27x39424xf32, #tpu.memory_space<vmem_shared>> -> memref<1x39424xf32, #tpu.memory_space<vmem_shared>>
        %dma_start3A_77 = tpu.memref_squeeze %dma_start3A_76 : memref<1x39424xf32, #tpu.memory_space<vmem_shared>> -> memref<39424xf32, #tpu.memory_space<vmem_shared>>
        tpu.enqueue_dma source(%dma_start3A_77 : memref<39424xf32, #tpu.memory_space<vmem_shared>>) target(%dma_start3A_74 : memref<39424xf32, #tpu.memory_space<hbm>>) target_semaphore(%arg8 : memref<!tpu.dma_semaphore, #tpu.memory_space<semaphore_mem>>)
        %slice3A_78 = vector.extract_strided_slice %get3A_22 {offsets = [3], sizes = [1], strides = [1]} : vector<16xi32> to vector<1xi32>
        %squeeze3A_79 = vector.extract %slice3A_78[0] : i32 from vector<1xi32>
        %max3A_80 = arith.constant 0 : i32
        %max3A_81 = arith.maxsi %squeeze3A_79, %max3A_80 : i32
        %min3A_82 = arith.constant 26 : i32
        %min3A_83 = arith.minsi %max3A_81, %min3A_82 : i32
        %mul3A_84 = arith.constant 16 : i32
        %mul3A_85 = arith.muli %scan3A_18, %mul3A_84 : i32
        %add3A_86 = arith.constant 3 : i32
        %add3A_87 = arith.addi %mul3A_85, %add3A_86 : i32
        %mul3A_88 = arith.constant 256 : i32
        %mul3A_89 = arith.muli %arg1, %mul3A_88 : i32
        %add3A_90 = arith.addi %mul3A_89, %add3A_87 : i32
        %mul3A_91 = arith.constant 39424 : i32
        %mul3A_92 = arith.muli %add3A, %mul3A_91 : i32
        %dma_start3A_93 = tpu.memref_slice %arg4[%add3A_90, %mul3A_92] : memref<4096x315392xf32, #tpu.memory_space<hbm>> -> memref<1x39424xf32, #tpu.memory_space<hbm>>
        %dma_start3A_94 = tpu.memref_squeeze %dma_start3A_93 : memref<1x39424xf32, #tpu.memory_space<hbm>> -> memref<39424xf32, #tpu.memory_space<hbm>>
        %dma_start3A_95 = arith.constant 0 : i32
        %dma_start3A_96 = tpu.memref_slice %arg6[%min3A_83, %dma_start3A_95] : memref<27x39424xf32, #tpu.memory_space<vmem_shared>> -> memref<1x39424xf32, #tpu.memory_space<vmem_shared>>
        %dma_start3A_97 = tpu.memref_squeeze %dma_start3A_96 : memref<1x39424xf32, #tpu.memory_space<vmem_shared>> -> memref<39424xf32, #tpu.memory_space<vmem_shared>>
        tpu.enqueue_dma source(%dma_start3A_97 : memref<39424xf32, #tpu.memory_space<vmem_shared>>) target(%dma_start3A_94 : memref<39424xf32, #tpu.memory_space<hbm>>) target_semaphore(%arg8 : memref<!tpu.dma_semaphore, #tpu.memory_space<semaphore_mem>>)
        %slice3A_98 = vector.extract_strided_slice %get3A_22 {offsets = [4], sizes = [1], strides = [1]} : vector<16xi32> to vector<1xi32>
        %squeeze3A_99 = vector.extract %slice3A_98[0] : i32 from vector<1xi32>
        %max3A_100 = arith.constant 0 : i32
        %max3A_101 = arith.maxsi %squeeze3A_99, %max3A_100 : i32
        %min3A_102 = arith.constant 26 : i32
        %min3A_103 = arith.minsi %max3A_101, %min3A_102 : i32
        %mul3A_104 = arith.constant 16 : i32
        %mul3A_105 = arith.muli %scan3A_18, %mul3A_104 : i32
        %add3A_106 = arith.constant 4 : i32
        %add3A_107 = arith.addi %mul3A_105, %add3A_106 : i32
        %mul3A_108 = arith.constant 256 : i32
        %mul3A_109 = arith.muli %arg1, %mul3A_108 : i32
        %add3A_110 = arith.addi %mul3A_109, %add3A_107 : i32
        %mul3A_111 = arith.constant 39424 : i32
        %mul3A_112 = arith.muli %add3A, %mul3A_111 : i32
        %dma_start3A_113 = tpu.memref_slice %arg4[%add3A_110, %mul3A_112] : memref<4096x315392xf32, #tpu.memory_space<hbm>> -> memref<1x39424xf32, #tpu.memory_space<hbm>>
        %dma_start3A_114 = tpu.memref_squeeze %dma_start3A_113 : memref<1x39424xf32, #tpu.memory_space<hbm>> -> memref<39424xf32, #tpu.memory_space<hbm>>
        %dma_start3A_115 = arith.constant 0 : i32
        %dma_start3A_116 = tpu.memref_slice %arg6[%min3A_103, %dma_start3A_115] : memref<27x39424xf32, #tpu.memory_space<vmem_shared>> -> memref<1x39424xf32, #tpu.memory_space<vmem_shared>>
        %dma_start3A_117 = tpu.memref_squeeze %dma_start3A_116 : memref<1x39424xf32, #tpu.memory_space<vmem_shared>> -> memref<39424xf32, #tpu.memory_space<vmem_shared>>
        tpu.enqueue_dma source(%dma_start3A_117 : memref<39424xf32, #tpu.memory_space<vmem_shared>>) target(%dma_start3A_114 : memref<39424xf32, #tpu.memory_space<hbm>>) target_semaphore(%arg8 : memref<!tpu.dma_semaphore, #tpu.memory_space<semaphore_mem>>)
        %slice3A_118 = vector.extract_strided_slice %get3A_22 {offsets = [5], sizes = [1], strides = [1]} : vector<16xi32> to vector<1xi32>
        %squeeze3A_119 = vector.extract %slice3A_118[0] : i32 from vector<1xi32>
        %max3A_120 = arith.constant 0 : i32
        %max3A_121 = arith.maxsi %squeeze3A_119, %max3A_120 : i32
        %min3A_122 = arith.constant 26 : i32
        %min3A_123 = arith.minsi %max3A_121, %min3A_122 : i32
        %mul3A_124 = arith.constant 16 : i32
        %mul3A_125 = arith.muli %scan3A_18, %mul3A_124 : i32
        %add3A_126 = arith.constant 5 : i32
        %add3A_127 = arith.addi %mul3A_125, %add3A_126 : i32
        %mul3A_128 = arith.constant 256 : i32
        %mul3A_129 = arith.muli %arg1, %mul3A_128 : i32
        %add3A_130 = arith.addi %mul3A_129, %add3A_127 : i32
        %mul3A_131 = arith.constant 39424 : i32
        %mul3A_132 = arith.muli %add3A, %mul3A_131 : i32
        %dma_start3A_133 = tpu.memref_slice %arg4[%add3A_130, %mul3A_132] : memref<4096x315392xf32, #tpu.memory_space<hbm>> -> memref<1x39424xf32, #tpu.memory_space<hbm>>
        %dma_start3A_134 = tpu.memref_squeeze %dma_start3A_133 : memref<1x39424xf32, #tpu.memory_space<hbm>> -> memref<39424xf32, #tpu.memory_space<hbm>>
        %dma_start3A_135 = arith.constant 0 : i32
        %dma_start3A_136 = tpu.memref_slice %arg6[%min3A_123, %dma_start3A_135] : memref<27x39424xf32, #tpu.memory_space<vmem_shared>> -> memref<1x39424xf32, #tpu.memory_space<vmem_shared>>
        %dma_start3A_137 = tpu.memref_squeeze %dma_start3A_136 : memref<1x39424xf32, #tpu.memory_space<vmem_shared>> -> memref<39424xf32, #tpu.memory_space<vmem_shared>>
        tpu.enqueue_dma source(%dma_start3A_137 : memref<39424xf32, #tpu.memory_space<vmem_shared>>) target(%dma_start3A_134 : memref<39424xf32, #tpu.memory_space<hbm>>) target_semaphore(%arg8 : memref<!tpu.dma_semaphore, #tpu.memory_space<semaphore_mem>>)
        %slice3A_138 = vector.extract_strided_slice %get3A_22 {offsets = [6], sizes = [1], strides = [1]} : vector<16xi32> to vector<1xi32>
        %squeeze3A_139 = vector.extract %slice3A_138[0] : i32 from vector<1xi32>
        %max3A_140 = arith.constant 0 : i32
        %max3A_141 = arith.maxsi %squeeze3A_139, %max3A_140 : i32
        %min3A_142 = arith.constant 26 : i32
        %min3A_143 = arith.minsi %max3A_141, %min3A_142 : i32
        %mul3A_144 = arith.constant 16 : i32
        %mul3A_145 = arith.muli %scan3A_18, %mul3A_144 : i32
        %add3A_146 = arith.constant 6 : i32
        %add3A_147 = arith.addi %mul3A_145, %add3A_146 : i32
        %mul3A_148 = arith.constant 256 : i32
        %mul3A_149 = arith.muli %arg1, %mul3A_148 : i32
        %add3A_150 = arith.addi %mul3A_149, %add3A_147 : i32
        %mul3A_151 = arith.constant 39424 : i32
        %mul3A_152 = arith.muli %add3A, %mul3A_151 : i32
        %dma_start3A_153 = tpu.memref_slice %arg4[%add3A_150, %mul3A_152] : memref<4096x315392xf32, #tpu.memory_space<hbm>> -> memref<1x39424xf32, #tpu.memory_space<hbm>>
        %dma_start3A_154 = tpu.memref_squeeze %dma_start3A_153 : memref<1x39424xf32, #tpu.memory_space<hbm>> -> memref<39424xf32, #tpu.memory_space<hbm>>
        %dma_start3A_155 = arith.constant 0 : i32
        %dma_start3A_156 = tpu.memref_slice %arg6[%min3A_143, %dma_start3A_155] : memref<27x39424xf32, #tpu.memory_space<vmem_shared>> -> memref<1x39424xf32, #tpu.memory_space<vmem_shared>>
        %dma_start3A_157 = tpu.memref_squeeze %dma_start3A_156 : memref<1x39424xf32, #tpu.memory_space<vmem_shared>> -> memref<39424xf32, #tpu.memory_space<vmem_shared>>
        tpu.enqueue_dma source(%dma_start3A_157 : memref<39424xf32, #tpu.memory_space<vmem_shared>>) target(%dma_start3A_154 : memref<39424xf32, #tpu.memory_space<hbm>>) target_semaphore(%arg8 : memref<!tpu.dma_semaphore, #tpu.memory_space<semaphore_mem>>)
        %slice3A_158 = vector.extract_strided_slice %get3A_22 {offsets = [7], sizes = [1], strides = [1]} : vector<16xi32> to vector<1xi32>
        %squeeze3A_159 = vector.extract %slice3A_158[0] : i32 from vector<1xi32>
        %max3A_160 = arith.constant 0 : i32
        %max3A_161 = arith.maxsi %squeeze3A_159, %max3A_160 : i32
        %min3A_162 = arith.constant 26 : i32
        %min3A_163 = arith.minsi %max3A_161, %min3A_162 : i32
        %mul3A_164 = arith.constant 16 : i32
        %mul3A_165 = arith.muli %scan3A_18, %mul3A_164 : i32
        %add3A_166 = arith.constant 7 : i32
        %add3A_167 = arith.addi %mul3A_165, %add3A_166 : i32
        %mul3A_168 = arith.constant 256 : i32
        %mul3A_169 = arith.muli %arg1, %mul3A_168 : i32
        %add3A_170 = arith.addi %mul3A_169, %add3A_167 : i32
        %mul3A_171 = arith.constant 39424 : i32
        %mul3A_172 = arith.muli %add3A, %mul3A_171 : i32
        %dma_start3A_173 = tpu.memref_slice %arg4[%add3A_170, %mul3A_172] : memref<4096x315392xf32, #tpu.memory_space<hbm>> -> memref<1x39424xf32, #tpu.memory_space<hbm>>
        %dma_start3A_174 = tpu.memref_squeeze %dma_start3A_173 : memref<1x39424xf32, #tpu.memory_space<hbm>> -> memref<39424xf32, #tpu.memory_space<hbm>>
        %dma_start3A_175 = arith.constant 0 : i32
        %dma_start3A_176 = tpu.memref_slice %arg6[%min3A_163, %dma_start3A_175] : memref<27x39424xf32, #tpu.memory_space<vmem_shared>> -> memref<1x39424xf32, #tpu.memory_space<vmem_shared>>
        %dma_start3A_177 = tpu.memref_squeeze %dma_start3A_176 : memref<1x39424xf32, #tpu.memory_space<vmem_shared>> -> memref<39424xf32, #tpu.memory_space<vmem_shared>>
        tpu.enqueue_dma source(%dma_start3A_177 : memref<39424xf32, #tpu.memory_space<vmem_shared>>) target(%dma_start3A_174 : memref<39424xf32, #tpu.memory_space<hbm>>) target_semaphore(%arg8 : memref<!tpu.dma_semaphore, #tpu.memory_space<semaphore_mem>>)
        %slice3A_178 = vector.extract_strided_slice %get3A_22 {offsets = [8], sizes = [1], strides = [1]} : vector<16xi32> to vector<1xi32>
        %squeeze3A_179 = vector.extract %slice3A_178[0] : i32 from vector<1xi32>
        %max3A_180 = arith.constant 0 : i32
        %max3A_181 = arith.maxsi %squeeze3A_179, %max3A_180 : i32
        %min3A_182 = arith.constant 26 : i32
        %min3A_183 = arith.minsi %max3A_181, %min3A_182 : i32
        %mul3A_184 = arith.constant 16 : i32
        %mul3A_185 = arith.muli %scan3A_18, %mul3A_184 : i32
        %add3A_186 = arith.constant 8 : i32
        %add3A_187 = arith.addi %mul3A_185, %add3A_186 : i32
        %mul3A_188 = arith.constant 256 : i32
        %mul3A_189 = arith.muli %arg1, %mul3A_188 : i32
        %add3A_190 = arith.addi %mul3A_189, %add3A_187 : i32
        %mul3A_191 = arith.constant 39424 : i32
        %mul3A_192 = arith.muli %add3A, %mul3A_191 : i32
        %dma_start3A_193 = tpu.memref_slice %arg4[%add3A_190, %mul3A_192] : memref<4096x315392xf32, #tpu.memory_space<hbm>> -> memref<1x39424xf32, #tpu.memory_space<hbm>>
        %dma_start3A_194 = tpu.memref_squeeze %dma_start3A_193 : memref<1x39424xf32, #tpu.memory_space<hbm>> -> memref<39424xf32, #tpu.memory_space<hbm>>
        %dma_start3A_195 = arith.constant 0 : i32
        %dma_start3A_196 = tpu.memref_slice %arg6[%min3A_183, %dma_start3A_195] : memref<27x39424xf32, #tpu.memory_space<vmem_shared>> -> memref<1x39424xf32, #tpu.memory_space<vmem_shared>>
        %dma_start3A_197 = tpu.memref_squeeze %dma_start3A_196 : memref<1x39424xf32, #tpu.memory_space<vmem_shared>> -> memref<39424xf32, #tpu.memory_space<vmem_shared>>
        tpu.enqueue_dma source(%dma_start3A_197 : memref<39424xf32, #tpu.memory_space<vmem_shared>>) target(%dma_start3A_194 : memref<39424xf32, #tpu.memory_space<hbm>>) target_semaphore(%arg8 : memref<!tpu.dma_semaphore, #tpu.memory_space<semaphore_mem>>)
        %slice3A_198 = vector.extract_strided_slice %get3A_22 {offsets = [9], sizes = [1], strides = [1]} : vector<16xi32> to vector<1xi32>
        %squeeze3A_199 = vector.extract %slice3A_198[0] : i32 from vector<1xi32>
        %max3A_200 = arith.constant 0 : i32
        %max3A_201 = arith.maxsi %squeeze3A_199, %max3A_200 : i32
        %min3A_202 = arith.constant 26 : i32
        %min3A_203 = arith.minsi %max3A_201, %min3A_202 : i32
        %mul3A_204 = arith.constant 16 : i32
        %mul3A_205 = arith.muli %scan3A_18, %mul3A_204 : i32
        %add3A_206 = arith.constant 9 : i32
        %add3A_207 = arith.addi %mul3A_205, %add3A_206 : i32
        %mul3A_208 = arith.constant 256 : i32
        %mul3A_209 = arith.muli %arg1, %mul3A_208 : i32
        %add3A_210 = arith.addi %mul3A_209, %add3A_207 : i32
        %mul3A_211 = arith.constant 39424 : i32
        %mul3A_212 = arith.muli %add3A, %mul3A_211 : i32
        %dma_start3A_213 = tpu.memref_slice %arg4[%add3A_210, %mul3A_212] : memref<4096x315392xf32, #tpu.memory_space<hbm>> -> memref<1x39424xf32, #tpu.memory_space<hbm>>
        %dma_start3A_214 = tpu.memref_squeeze %dma_start3A_213 : memref<1x39424xf32, #tpu.memory_space<hbm>> -> memref<39424xf32, #tpu.memory_space<hbm>>
        %dma_start3A_215 = arith.constant 0 : i32
        %dma_start3A_216 = tpu.memref_slice %arg6[%min3A_203, %dma_start3A_215] : memref<27x39424xf32, #tpu.memory_space<vmem_shared>> -> memref<1x39424xf32, #tpu.memory_space<vmem_shared>>
        %dma_start3A_217 = tpu.memref_squeeze %dma_start3A_216 : memref<1x39424xf32, #tpu.memory_space<vmem_shared>> -> memref<39424xf32, #tpu.memory_space<vmem_shared>>
        tpu.enqueue_dma source(%dma_start3A_217 : memref<39424xf32, #tpu.memory_space<vmem_shared>>) target(%dma_start3A_214 : memref<39424xf32, #tpu.memory_space<hbm>>) target_semaphore(%arg8 : memref<!tpu.dma_semaphore, #tpu.memory_space<semaphore_mem>>)
        %slice3A_218 = vector.extract_strided_slice %get3A_22 {offsets = [10], sizes = [1], strides = [1]} : vector<16xi32> to vector<1xi32>
        %squeeze3A_219 = vector.extract %slice3A_218[0] : i32 from vector<1xi32>
        %max3A_220 = arith.constant 0 : i32
        %max3A_221 = arith.maxsi %squeeze3A_219, %max3A_220 : i32
        %min3A_222 = arith.constant 26 : i32
        %min3A_223 = arith.minsi %max3A_221, %min3A_222 : i32
        %mul3A_224 = arith.constant 16 : i32
        %mul3A_225 = arith.muli %scan3A_18, %mul3A_224 : i32
        %add3A_226 = arith.constant 10 : i32
        %add3A_227 = arith.addi %mul3A_225, %add3A_226 : i32
        %mul3A_228 = arith.constant 256 : i32
        %mul3A_229 = arith.muli %arg1, %mul3A_228 : i32
        %add3A_230 = arith.addi %mul3A_229, %add3A_227 : i32
        %mul3A_231 = arith.constant 39424 : i32
        %mul3A_232 = arith.muli %add3A, %mul3A_231 : i32
        %dma_start3A_233 = tpu.memref_slice %arg4[%add3A_230, %mul3A_232] : memref<4096x315392xf32, #tpu.memory_space<hbm>> -> memref<1x39424xf32, #tpu.memory_space<hbm>>
        %dma_start3A_234 = tpu.memref_squeeze %dma_start3A_233 : memref<1x39424xf32, #tpu.memory_space<hbm>> -> memref<39424xf32, #tpu.memory_space<hbm>>
        %dma_start3A_235 = arith.constant 0 : i32
        %dma_start3A_236 = tpu.memref_slice %arg6[%min3A_223, %dma_start3A_235] : memref<27x39424xf32, #tpu.memory_space<vmem_shared>> -> memref<1x39424xf32, #tpu.memory_space<vmem_shared>>
        %dma_start3A_237 = tpu.memref_squeeze %dma_start3A_236 : memref<1x39424xf32, #tpu.memory_space<vmem_shared>> -> memref<39424xf32, #tpu.memory_space<vmem_shared>>
        tpu.enqueue_dma source(%dma_start3A_237 : memref<39424xf32, #tpu.memory_space<vmem_shared>>) target(%dma_start3A_234 : memref<39424xf32, #tpu.memory_space<hbm>>) target_semaphore(%arg8 : memref<!tpu.dma_semaphore, #tpu.memory_space<semaphore_mem>>)
        %slice3A_238 = vector.extract_strided_slice %get3A_22 {offsets = [11], sizes = [1], strides = [1]} : vector<16xi32> to vector<1xi32>
        %squeeze3A_239 = vector.extract %slice3A_238[0] : i32 from vector<1xi32>
        %max3A_240 = arith.constant 0 : i32
        %max3A_241 = arith.maxsi %squeeze3A_239, %max3A_240 : i32
        %min3A_242 = arith.constant 26 : i32
        %min3A_243 = arith.minsi %max3A_241, %min3A_242 : i32
        %mul3A_244 = arith.constant 16 : i32
        %mul3A_245 = arith.muli %scan3A_18, %mul3A_244 : i32
        %add3A_246 = arith.constant 11 : i32
        %add3A_247 = arith.addi %mul3A_245, %add3A_246 : i32
        %mul3A_248 = arith.constant 256 : i32
        %mul3A_249 = arith.muli %arg1, %mul3A_248 : i32
        %add3A_250 = arith.addi %mul3A_249, %add3A_247 : i32
        %mul3A_251 = arith.constant 39424 : i32
        %mul3A_252 = arith.muli %add3A, %mul3A_251 : i32
        %dma_start3A_253 = tpu.memref_slice %arg4[%add3A_250, %mul3A_252] : memref<4096x315392xf32, #tpu.memory_space<hbm>> -> memref<1x39424xf32, #tpu.memory_space<hbm>>
        %dma_start3A_254 = tpu.memref_squeeze %dma_start3A_253 : memref<1x39424xf32, #tpu.memory_space<hbm>> -> memref<39424xf32, #tpu.memory_space<hbm>>
        %dma_start3A_255 = arith.constant 0 : i32
        %dma_start3A_256 = tpu.memref_slice %arg6[%min3A_243, %dma_start3A_255] : memref<27x39424xf32, #tpu.memory_space<vmem_shared>> -> memref<1x39424xf32, #tpu.memory_space<vmem_shared>>
        %dma_start3A_257 = tpu.memref_squeeze %dma_start3A_256 : memref<1x39424xf32, #tpu.memory_space<vmem_shared>> -> memref<39424xf32, #tpu.memory_space<vmem_shared>>
        tpu.enqueue_dma source(%dma_start3A_257 : memref<39424xf32, #tpu.memory_space<vmem_shared>>) target(%dma_start3A_254 : memref<39424xf32, #tpu.memory_space<hbm>>) target_semaphore(%arg8 : memref<!tpu.dma_semaphore, #tpu.memory_space<semaphore_mem>>)
        %slice3A_258 = vector.extract_strided_slice %get3A_22 {offsets = [12], sizes = [1], strides = [1]} : vector<16xi32> to vector<1xi32>
        %squeeze3A_259 = vector.extract %slice3A_258[0] : i32 from vector<1xi32>
        %max3A_260 = arith.constant 0 : i32
        %max3A_261 = arith.maxsi %squeeze3A_259, %max3A_260 : i32
        %min3A_262 = arith.constant 26 : i32
        %min3A_263 = arith.minsi %max3A_261, %min3A_262 : i32
        %mul3A_264 = arith.constant 16 : i32
        %mul3A_265 = arith.muli %scan3A_18, %mul3A_264 : i32
        %add3A_266 = arith.constant 12 : i32
        %add3A_267 = arith.addi %mul3A_265, %add3A_266 : i32
        %mul3A_268 = arith.constant 256 : i32
        %mul3A_269 = arith.muli %arg1, %mul3A_268 : i32
        %add3A_270 = arith.addi %mul3A_269, %add3A_267 : i32
        %mul3A_271 = arith.constant 39424 : i32
        %mul3A_272 = arith.muli %add3A, %mul3A_271 : i32
        %dma_start3A_273 = tpu.memref_slice %arg4[%add3A_270, %mul3A_272] : memref<4096x315392xf32, #tpu.memory_space<hbm>> -> memref<1x39424xf32, #tpu.memory_space<hbm>>
        %dma_start3A_274 = tpu.memref_squeeze %dma_start3A_273 : memref<1x39424xf32, #tpu.memory_space<hbm>> -> memref<39424xf32, #tpu.memory_space<hbm>>
        %dma_start3A_275 = arith.constant 0 : i32
        %dma_start3A_276 = tpu.memref_slice %arg6[%min3A_263, %dma_start3A_275] : memref<27x39424xf32, #tpu.memory_space<vmem_shared>> -> memref<1x39424xf32, #tpu.memory_space<vmem_shared>>
        %dma_start3A_277 = tpu.memref_squeeze %dma_start3A_276 : memref<1x39424xf32, #tpu.memory_space<vmem_shared>> -> memref<39424xf32, #tpu.memory_space<vmem_shared>>
        tpu.enqueue_dma source(%dma_start3A_277 : memref<39424xf32, #tpu.memory_space<vmem_shared>>) target(%dma_start3A_274 : memref<39424xf32, #tpu.memory_space<hbm>>) target_semaphore(%arg8 : memref<!tpu.dma_semaphore, #tpu.memory_space<semaphore_mem>>)
        %slice3A_278 = vector.extract_strided_slice %get3A_22 {offsets = [13], sizes = [1], strides = [1]} : vector<16xi32> to vector<1xi32>
        %squeeze3A_279 = vector.extract %slice3A_278[0] : i32 from vector<1xi32>
        %max3A_280 = arith.constant 0 : i32
        %max3A_281 = arith.maxsi %squeeze3A_279, %max3A_280 : i32
        %min3A_282 = arith.constant 26 : i32
        %min3A_283 = arith.minsi %max3A_281, %min3A_282 : i32
        %mul3A_284 = arith.constant 16 : i32
        %mul3A_285 = arith.muli %scan3A_18, %mul3A_284 : i32
        %add3A_286 = arith.constant 13 : i32
        %add3A_287 = arith.addi %mul3A_285, %add3A_286 : i32
        %mul3A_288 = arith.constant 256 : i32
        %mul3A_289 = arith.muli %arg1, %mul3A_288 : i32
        %add3A_290 = arith.addi %mul3A_289, %add3A_287 : i32
        %mul3A_291 = arith.constant 39424 : i32
        %mul3A_292 = arith.muli %add3A, %mul3A_291 : i32
        %dma_start3A_293 = tpu.memref_slice %arg4[%add3A_290, %mul3A_292] : memref<4096x315392xf32, #tpu.memory_space<hbm>> -> memref<1x39424xf32, #tpu.memory_space<hbm>>
        %dma_start3A_294 = tpu.memref_squeeze %dma_start3A_293 : memref<1x39424xf32, #tpu.memory_space<hbm>> -> memref<39424xf32, #tpu.memory_space<hbm>>
        %dma_start3A_295 = arith.constant 0 : i32
        %dma_start3A_296 = tpu.memref_slice %arg6[%min3A_283, %dma_start3A_295] : memref<27x39424xf32, #tpu.memory_space<vmem_shared>> -> memref<1x39424xf32, #tpu.memory_space<vmem_shared>>
        %dma_start3A_297 = tpu.memref_squeeze %dma_start3A_296 : memref<1x39424xf32, #tpu.memory_space<vmem_shared>> -> memref<39424xf32, #tpu.memory_space<vmem_shared>>
        tpu.enqueue_dma source(%dma_start3A_297 : memref<39424xf32, #tpu.memory_space<vmem_shared>>) target(%dma_start3A_294 : memref<39424xf32, #tpu.memory_space<hbm>>) target_semaphore(%arg8 : memref<!tpu.dma_semaphore, #tpu.memory_space<semaphore_mem>>)
        %slice3A_298 = vector.extract_strided_slice %get3A_22 {offsets = [14], sizes = [1], strides = [1]} : vector<16xi32> to vector<1xi32>
        %squeeze3A_299 = vector.extract %slice3A_298[0] : i32 from vector<1xi32>
        %max3A_300 = arith.constant 0 : i32
        %max3A_301 = arith.maxsi %squeeze3A_299, %max3A_300 : i32
        %min3A_302 = arith.constant 26 : i32
        %min3A_303 = arith.minsi %max3A_301, %min3A_302 : i32
        %mul3A_304 = arith.constant 16 : i32
        %mul3A_305 = arith.muli %scan3A_18, %mul3A_304 : i32
        %add3A_306 = arith.constant 14 : i32
        %add3A_307 = arith.addi %mul3A_305, %add3A_306 : i32
        %mul3A_308 = arith.constant 256 : i32
        %mul3A_309 = arith.muli %arg1, %mul3A_308 : i32
        %add3A_310 = arith.addi %mul3A_309, %add3A_307 : i32
        %mul3A_311 = arith.constant 39424 : i32
        %mul3A_312 = arith.muli %add3A, %mul3A_311 : i32
        %dma_start3A_313 = tpu.memref_slice %arg4[%add3A_310, %mul3A_312] : memref<4096x315392xf32, #tpu.memory_space<hbm>> -> memref<1x39424xf32, #tpu.memory_space<hbm>>
        %dma_start3A_314 = tpu.memref_squeeze %dma_start3A_313 : memref<1x39424xf32, #tpu.memory_space<hbm>> -> memref<39424xf32, #tpu.memory_space<hbm>>
        %dma_start3A_315 = arith.constant 0 : i32
        %dma_start3A_316 = tpu.memref_slice %arg6[%min3A_303, %dma_start3A_315] : memref<27x39424xf32, #tpu.memory_space<vmem_shared>> -> memref<1x39424xf32, #tpu.memory_space<vmem_shared>>
        %dma_start3A_317 = tpu.memref_squeeze %dma_start3A_316 : memref<1x39424xf32, #tpu.memory_space<vmem_shared>> -> memref<39424xf32, #tpu.memory_space<vmem_shared>>
        tpu.enqueue_dma source(%dma_start3A_317 : memref<39424xf32, #tpu.memory_space<vmem_shared>>) target(%dma_start3A_314 : memref<39424xf32, #tpu.memory_space<hbm>>) target_semaphore(%arg8 : memref<!tpu.dma_semaphore, #tpu.memory_space<semaphore_mem>>)
        %slice3A_318 = vector.extract_strided_slice %get3A_22 {offsets = [15], sizes = [1], strides = [1]} : vector<16xi32> to vector<1xi32>
        %squeeze3A_319 = vector.extract %slice3A_318[0] : i32 from vector<1xi32>
        %max3A_320 = arith.constant 0 : i32
        %max3A_321 = arith.maxsi %squeeze3A_319, %max3A_320 : i32
        %min3A_322 = arith.constant 26 : i32
        %min3A_323 = arith.minsi %max3A_321, %min3A_322 : i32
        %mul3A_324 = arith.constant 16 : i32
        %mul3A_325 = arith.muli %scan3A_18, %mul3A_324 : i32
        %add3A_326 = arith.constant 15 : i32
        %add3A_327 = arith.addi %mul3A_325, %add3A_326 : i32
        %mul3A_328 = arith.constant 256 : i32
        %mul3A_329 = arith.muli %arg1, %mul3A_328 : i32
        %add3A_330 = arith.addi %mul3A_329, %add3A_327 : i32
        %mul3A_331 = arith.constant 39424 : i32
        %mul3A_332 = arith.muli %add3A, %mul3A_331 : i32
        %dma_start3A_333 = tpu.memref_slice %arg4[%add3A_330, %mul3A_332] : memref<4096x315392xf32, #tpu.memory_space<hbm>> -> memref<1x39424xf32, #tpu.memory_space<hbm>>
        %dma_start3A_334 = tpu.memref_squeeze %dma_start3A_333 : memref<1x39424xf32, #tpu.memory_space<hbm>> -> memref<39424xf32, #tpu.memory_space<hbm>>
        %dma_start3A_335 = arith.constant 0 : i32
        %dma_start3A_336 = tpu.memref_slice %arg6[%min3A_323, %dma_start3A_335] : memref<27x39424xf32, #tpu.memory_space<vmem_shared>> -> memref<1x39424xf32, #tpu.memory_space<vmem_shared>>
        %dma_start3A_337 = tpu.memref_squeeze %dma_start3A_336 : memref<1x39424xf32, #tpu.memory_space<vmem_shared>> -> memref<39424xf32, #tpu.memory_space<vmem_shared>>
        tpu.enqueue_dma source(%dma_start3A_337 : memref<39424xf32, #tpu.memory_space<vmem_shared>>) target(%dma_start3A_334 : memref<39424xf32, #tpu.memory_space<hbm>>) target_semaphore(%arg8 : memref<!tpu.dma_semaphore, #tpu.memory_space<semaphore_mem>>)
        %dma_wait3A = tpu.memref_slice %arg4[%add3A_31, %mul3A_33] : memref<4096x315392xf32, #tpu.memory_space<hbm>> -> memref<1x39424xf32, #tpu.memory_space<hbm>>
        %dma_wait3A_338 = tpu.memref_squeeze %dma_wait3A : memref<1x39424xf32, #tpu.memory_space<hbm>> -> memref<39424xf32, #tpu.memory_space<hbm>>
        %dma_wait3A_339 = arith.constant 0 : i32
        %dma_wait3A_340 = tpu.memref_slice %arg6[%min3A_24, %dma_wait3A_339] : memref<27x39424xf32, #tpu.memory_space<vmem_shared>> -> memref<1x39424xf32, #tpu.memory_space<vmem_shared>>
        %dma_wait3A_341 = tpu.memref_squeeze %dma_wait3A_340 : memref<1x39424xf32, #tpu.memory_space<vmem_shared>> -> memref<39424xf32, #tpu.memory_space<vmem_shared>>
        tpu.wait_dma2 semaphore(%arg8 : memref<!tpu.dma_semaphore, #tpu.memory_space<semaphore_mem>>) src(%dma_wait3A_341 : memref<39424xf32, #tpu.memory_space<vmem_shared>>) dst(%dma_wait3A_338 : memref<39424xf32, #tpu.memory_space<hbm>>)
        %dma_wait3A_342 = tpu.memref_slice %arg4[%add3A_50, %mul3A_52] : memref<4096x315392xf32, #tpu.memory_space<hbm>> -> memref<1x39424xf32, #tpu.memory_space<hbm>>
        %dma_wait3A_343 = tpu.memref_squeeze %dma_wait3A_342 : memref<1x39424xf32, #tpu.memory_space<hbm>> -> memref<39424xf32, #tpu.memory_space<hbm>>
        %dma_wait3A_344 = arith.constant 0 : i32
        %dma_wait3A_345 = tpu.memref_slice %arg6[%min3A_43, %dma_wait3A_344] : memref<27x39424xf32, #tpu.memory_space<vmem_shared>> -> memref<1x39424xf32, #tpu.memory_space<vmem_shared>>
        %dma_wait3A_346 = tpu.memref_squeeze %dma_wait3A_345 : memref<1x39424xf32, #tpu.memory_space<vmem_shared>> -> memref<39424xf32, #tpu.memory_space<vmem_shared>>
        tpu.wait_dma2 semaphore(%arg8 : memref<!tpu.dma_semaphore, #tpu.memory_space<semaphore_mem>>) src(%dma_wait3A_346 : memref<39424xf32, #tpu.memory_space<vmem_shared>>) dst(%dma_wait3A_343 : memref<39424xf32, #tpu.memory_space<hbm>>)
        %dma_wait3A_347 = tpu.memref_slice %arg4[%add3A_70, %mul3A_72] : memref<4096x315392xf32, #tpu.memory_space<hbm>> -> memref<1x39424xf32, #tpu.memory_space<hbm>>
        %dma_wait3A_348 = tpu.memref_squeeze %dma_wait3A_347 : memref<1x39424xf32, #tpu.memory_space<hbm>> -> memref<39424xf32, #tpu.memory_space<hbm>>
        %dma_wait3A_349 = arith.constant 0 : i32
        %dma_wait3A_350 = tpu.memref_slice %arg6[%min3A_63, %dma_wait3A_349] : memref<27x39424xf32, #tpu.memory_space<vmem_shared>> -> memref<1x39424xf32, #tpu.memory_space<vmem_shared>>
        %dma_wait3A_351 = tpu.memref_squeeze %dma_wait3A_350 : memref<1x39424xf32, #tpu.memory_space<vmem_shared>> -> memref<39424xf32, #tpu.memory_space<vmem_shared>>
        tpu.wait_dma2 semaphore(%arg8 : memref<!tpu.dma_semaphore, #tpu.memory_space<semaphore_mem>>) src(%dma_wait3A_351 : memref<39424xf32, #tpu.memory_space<vmem_shared>>) dst(%dma_wait3A_348 : memref<39424xf32, #tpu.memory_space<hbm>>)
        %dma_wait3A_352 = tpu.memref_slice %arg4[%add3A_90, %mul3A_92] : memref<4096x315392xf32, #tpu.memory_space<hbm>> -> memref<1x39424xf32, #tpu.memory_space<hbm>>
        %dma_wait3A_353 = tpu.memref_squeeze %dma_wait3A_352 : memref<1x39424xf32, #tpu.memory_space<hbm>> -> memref<39424xf32, #tpu.memory_space<hbm>>
        %dma_wait3A_354 = arith.constant 0 : i32
        %dma_wait3A_355 = tpu.memref_slice %arg6[%min3A_83, %dma_wait3A_354] : memref<27x39424xf32, #tpu.memory_space<vmem_shared>> -> memref<1x39424xf32, #tpu.memory_space<vmem_shared>>
        %dma_wait3A_356 = tpu.memref_squeeze %dma_wait3A_355 : memref<1x39424xf32, #tpu.memory_space<vmem_shared>> -> memref<39424xf32, #tpu.memory_space<vmem_shared>>
        tpu.wait_dma2 semaphore(%arg8 : memref<!tpu.dma_semaphore, #tpu.memory_space<semaphore_mem>>) src(%dma_wait3A_356 : memref<39424xf32, #tpu.memory_space<vmem_shared>>) dst(%dma_wait3A_353 : memref<39424xf32, #tpu.memory_space<hbm>>)
        %dma_wait3A_357 = tpu.memref_slice %arg4[%add3A_110, %mul3A_112] : memref<4096x315392xf32, #tpu.memory_space<hbm>> -> memref<1x39424xf32, #tpu.memory_space<hbm>>
        %dma_wait3A_358 = tpu.memref_squeeze %dma_wait3A_357 : memref<1x39424xf32, #tpu.memory_space<hbm>> -> memref<39424xf32, #tpu.memory_space<hbm>>
        %dma_wait3A_359 = arith.constant 0 : i32
        %dma_wait3A_360 = tpu.memref_slice %arg6[%min3A_103, %dma_wait3A_359] : memref<27x39424xf32, #tpu.memory_space<vmem_shared>> -> memref<1x39424xf32, #tpu.memory_space<vmem_shared>>
        %dma_wait3A_361 = tpu.memref_squeeze %dma_wait3A_360 : memref<1x39424xf32, #tpu.memory_space<vmem_shared>> -> memref<39424xf32, #tpu.memory_space<vmem_shared>>
        tpu.wait_dma2 semaphore(%arg8 : memref<!tpu.dma_semaphore, #tpu.memory_space<semaphore_mem>>) src(%dma_wait3A_361 : memref<39424xf32, #tpu.memory_space<vmem_shared>>) dst(%dma_wait3A_358 : memref<39424xf32, #tpu.memory_space<hbm>>)
        %dma_wait3A_362 = tpu.memref_slice %arg4[%add3A_130, %mul3A_132] : memref<4096x315392xf32, #tpu.memory_space<hbm>> -> memref<1x39424xf32, #tpu.memory_space<hbm>>
        %dma_wait3A_363 = tpu.memref_squeeze %dma_wait3A_362 : memref<1x39424xf32, #tpu.memory_space<hbm>> -> memref<39424xf32, #tpu.memory_space<hbm>>
        %dma_wait3A_364 = arith.constant 0 : i32
        %dma_wait3A_365 = tpu.memref_slice %arg6[%min3A_123, %dma_wait3A_364] : memref<27x39424xf32, #tpu.memory_space<vmem_shared>> -> memref<1x39424xf32, #tpu.memory_space<vmem_shared>>
        %dma_wait3A_366 = tpu.memref_squeeze %dma_wait3A_365 : memref<1x39424xf32, #tpu.memory_space<vmem_shared>> -> memref<39424xf32, #tpu.memory_space<vmem_shared>>
        tpu.wait_dma2 semaphore(%arg8 : memref<!tpu.dma_semaphore, #tpu.memory_space<semaphore_mem>>) src(%dma_wait3A_366 : memref<39424xf32, #tpu.memory_space<vmem_shared>>) dst(%dma_wait3A_363 : memref<39424xf32, #tpu.memory_space<hbm>>)
        %dma_wait3A_367 = tpu.memref_slice %arg4[%add3A_150, %mul3A_152] : memref<4096x315392xf32, #tpu.memory_space<hbm>> -> memref<1x39424xf32, #tpu.memory_space<hbm>>
        %dma_wait3A_368 = tpu.memref_squeeze %dma_wait3A_367 : memref<1x39424xf32, #tpu.memory_space<hbm>> -> memref<39424xf32, #tpu.memory_space<hbm>>
        %dma_wait3A_369 = arith.constant 0 : i32
        %dma_wait3A_370 = tpu.memref_slice %arg6[%min3A_143, %dma_wait3A_369] : memref<27x39424xf32, #tpu.memory_space<vmem_shared>> -> memref<1x39424xf32, #tpu.memory_space<vmem_shared>>
        %dma_wait3A_371 = tpu.memref_squeeze %dma_wait3A_370 : memref<1x39424xf32, #tpu.memory_space<vmem_shared>> -> memref<39424xf32, #tpu.memory_space<vmem_shared>>
        tpu.wait_dma2 semaphore(%arg8 : memref<!tpu.dma_semaphore, #tpu.memory_space<semaphore_mem>>) src(%dma_wait3A_371 : memref<39424xf32, #tpu.memory_space<vmem_shared>>) dst(%dma_wait3A_368 : memref<39424xf32, #tpu.memory_space<hbm>>)
        %dma_wait3A_372 = tpu.memref_slice %arg4[%add3A_170, %mul3A_172] : memref<4096x315392xf32, #tpu.memory_space<hbm>> -> memref<1x39424xf32, #tpu.memory_space<hbm>>
        %dma_wait3A_373 = tpu.memref_squeeze %dma_wait3A_372 : memref<1x39424xf32, #tpu.memory_space<hbm>> -> memref<39424xf32, #tpu.memory_space<hbm>>
        %dma_wait3A_374 = arith.constant 0 : i32
        %dma_wait3A_375 = tpu.memref_slice %arg6[%min3A_163, %dma_wait3A_374] : memref<27x39424xf32, #tpu.memory_space<vmem_shared>> -> memref<1x39424xf32, #tpu.memory_space<vmem_shared>>
        %dma_wait3A_376 = tpu.memref_squeeze %dma_wait3A_375 : memref<1x39424xf32, #tpu.memory_space<vmem_shared>> -> memref<39424xf32, #tpu.memory_space<vmem_shared>>
        tpu.wait_dma2 semaphore(%arg8 : memref<!tpu.dma_semaphore, #tpu.memory_space<semaphore_mem>>) src(%dma_wait3A_376 : memref<39424xf32, #tpu.memory_space<vmem_shared>>) dst(%dma_wait3A_373 : memref<39424xf32, #tpu.memory_space<hbm>>)
        %dma_wait3A_377 = tpu.memref_slice %arg4[%add3A_190, %mul3A_192] : memref<4096x315392xf32, #tpu.memory_space<hbm>> -> memref<1x39424xf32, #tpu.memory_space<hbm>>
        %dma_wait3A_378 = tpu.memref_squeeze %dma_wait3A_377 : memref<1x39424xf32, #tpu.memory_space<hbm>> -> memref<39424xf32, #tpu.memory_space<hbm>>
        %dma_wait3A_379 = arith.constant 0 : i32
        %dma_wait3A_380 = tpu.memref_slice %arg6[%min3A_183, %dma_wait3A_379] : memref<27x39424xf32, #tpu.memory_space<vmem_shared>> -> memref<1x39424xf32, #tpu.memory_space<vmem_shared>>
        %dma_wait3A_381 = tpu.memref_squeeze %dma_wait3A_380 : memref<1x39424xf32, #tpu.memory_space<vmem_shared>> -> memref<39424xf32, #tpu.memory_space<vmem_shared>>
        tpu.wait_dma2 semaphore(%arg8 : memref<!tpu.dma_semaphore, #tpu.memory_space<semaphore_mem>>) src(%dma_wait3A_381 : memref<39424xf32, #tpu.memory_space<vmem_shared>>) dst(%dma_wait3A_378 : memref<39424xf32, #tpu.memory_space<hbm>>)
        %dma_wait3A_382 = tpu.memref_slice %arg4[%add3A_210, %mul3A_212] : memref<4096x315392xf32, #tpu.memory_space<hbm>> -> memref<1x39424xf32, #tpu.memory_space<hbm>>
        %dma_wait3A_383 = tpu.memref_squeeze %dma_wait3A_382 : memref<1x39424xf32, #tpu.memory_space<hbm>> -> memref<39424xf32, #tpu.memory_space<hbm>>
        %dma_wait3A_384 = arith.constant 0 : i32
        %dma_wait3A_385 = tpu.memref_slice %arg6[%min3A_203, %dma_wait3A_384] : memref<27x39424xf32, #tpu.memory_space<vmem_shared>> -> memref<1x39424xf32, #tpu.memory_space<vmem_shared>>
        %dma_wait3A_386 = tpu.memref_squeeze %dma_wait3A_385 : memref<1x39424xf32, #tpu.memory_space<vmem_shared>> -> memref<39424xf32, #tpu.memory_space<vmem_shared>>
        tpu.wait_dma2 semaphore(%arg8 : memref<!tpu.dma_semaphore, #tpu.memory_space<semaphore_mem>>) src(%dma_wait3A_386 : memref<39424xf32, #tpu.memory_space<vmem_shared>>) dst(%dma_wait3A_383 : memref<39424xf32, #tpu.memory_space<hbm>>)
        %dma_wait3A_387 = tpu.memref_slice %arg4[%add3A_230, %mul3A_232] : memref<4096x315392xf32, #tpu.memory_space<hbm>> -> memref<1x39424xf32, #tpu.memory_space<hbm>>
        %dma_wait3A_388 = tpu.memref_squeeze %dma_wait3A_387 : memref<1x39424xf32, #tpu.memory_space<hbm>> -> memref<39424xf32, #tpu.memory_space<hbm>>
        %dma_wait3A_389 = arith.constant 0 : i32
        %dma_wait3A_390 = tpu.memref_slice %arg6[%min3A_223, %dma_wait3A_389] : memref<27x39424xf32, #tpu.memory_space<vmem_shared>> -> memref<1x39424xf32, #tpu.memory_space<vmem_shared>>
        %dma_wait3A_391 = tpu.memref_squeeze %dma_wait3A_390 : memref<1x39424xf32, #tpu.memory_space<vmem_shared>> -> memref<39424xf32, #tpu.memory_space<vmem_shared>>
        tpu.wait_dma2 semaphore(%arg8 : memref<!tpu.dma_semaphore, #tpu.memory_space<semaphore_mem>>) src(%dma_wait3A_391 : memref<39424xf32, #tpu.memory_space<vmem_shared>>) dst(%dma_wait3A_388 : memref<39424xf32, #tpu.memory_space<hbm>>)
        %dma_wait3A_392 = tpu.memref_slice %arg4[%add3A_250, %mul3A_252] : memref<4096x315392xf32, #tpu.memory_space<hbm>> -> memref<1x39424xf32, #tpu.memory_space<hbm>>
        %dma_wait3A_393 = tpu.memref_squeeze %dma_wait3A_392 : memref<1x39424xf32, #tpu.memory_space<hbm>> -> memref<39424xf32, #tpu.memory_space<hbm>>
        %dma_wait3A_394 = arith.constant 0 : i32
        %dma_wait3A_395 = tpu.memref_slice %arg6[%min3A_243, %dma_wait3A_394] : memref<27x39424xf32, #tpu.memory_space<vmem_shared>> -> memref<1x39424xf32, #tpu.memory_space<vmem_shared>>
        %dma_wait3A_396 = tpu.memref_squeeze %dma_wait3A_395 : memref<1x39424xf32, #tpu.memory_space<vmem_shared>> -> memref<39424xf32, #tpu.memory_space<vmem_shared>>
        tpu.wait_dma2 semaphore(%arg8 : memref<!tpu.dma_semaphore, #tpu.memory_space<semaphore_mem>>) src(%dma_wait3A_396 : memref<39424xf32, #tpu.memory_space<vmem_shared>>) dst(%dma_wait3A_393 : memref<39424xf32, #tpu.memory_space<hbm>>)
        %dma_wait3A_397 = tpu.memref_slice %arg4[%add3A_270, %mul3A_272] : memref<4096x315392xf32, #tpu.memory_space<hbm>> -> memref<1x39424xf32, #tpu.memory_space<hbm>>
        %dma_wait3A_398 = tpu.memref_squeeze %dma_wait3A_397 : memref<1x39424xf32, #tpu.memory_space<hbm>> -> memref<39424xf32, #tpu.memory_space<hbm>>
        %dma_wait3A_399 = arith.constant 0 : i32
        %dma_wait3A_400 = tpu.memref_slice %arg6[%min3A_263, %dma_wait3A_399] : memref<27x39424xf32, #tpu.memory_space<vmem_shared>> -> memref<1x39424xf32, #tpu.memory_space<vmem_shared>>
        %dma_wait3A_401 = tpu.memref_squeeze %dma_wait3A_400 : memref<1x39424xf32, #tpu.memory_space<vmem_shared>> -> memref<39424xf32, #tpu.memory_space<vmem_shared>>
        tpu.wait_dma2 semaphore(%arg8 : memref<!tpu.dma_semaphore, #tpu.memory_space<semaphore_mem>>) src(%dma_wait3A_401 : memref<39424xf32, #tpu.memory_space<vmem_shared>>) dst(%dma_wait3A_398 : memref<39424xf32, #tpu.memory_space<hbm>>)
        %dma_wait3A_402 = tpu.memref_slice %arg4[%add3A_290, %mul3A_292] : memref<4096x315392xf32, #tpu.memory_space<hbm>> -> memref<1x39424xf32, #tpu.memory_space<hbm>>
        %dma_wait3A_403 = tpu.memref_squeeze %dma_wait3A_402 : memref<1x39424xf32, #tpu.memory_space<hbm>> -> memref<39424xf32, #tpu.memory_space<hbm>>
        %dma_wait3A_404 = arith.constant 0 : i32
        %dma_wait3A_405 = tpu.memref_slice %arg6[%min3A_283, %dma_wait3A_404] : memref<27x39424xf32, #tpu.memory_space<vmem_shared>> -> memref<1x39424xf32, #tpu.memory_space<vmem_shared>>
        %dma_wait3A_406 = tpu.memref_squeeze %dma_wait3A_405 : memref<1x39424xf32, #tpu.memory_space<vmem_shared>> -> memref<39424xf32, #tpu.memory_space<vmem_shared>>
        tpu.wait_dma2 semaphore(%arg8 : memref<!tpu.dma_semaphore, #tpu.memory_space<semaphore_mem>>) src(%dma_wait3A_406 : memref<39424xf32, #tpu.memory_space<vmem_shared>>) dst(%dma_wait3A_403 : memref<39424xf32, #tpu.memory_space<hbm>>)
        %dma_wait3A_407 = tpu.memref_slice %arg4[%add3A_310, %mul3A_312] : memref<4096x315392xf32, #tpu.memory_space<hbm>> -> memref<1x39424xf32, #tpu.memory_space<hbm>>
        %dma_wait3A_408 = tpu.memref_squeeze %dma_wait3A_407 : memref<1x39424xf32, #tpu.memory_space<hbm>> -> memref<39424xf32, #tpu.memory_space<hbm>>
        %dma_wait3A_409 = arith.constant 0 : i32
        %dma_wait3A_410 = tpu.memref_slice %arg6[%min3A_303, %dma_wait3A_409] : memref<27x39424xf32, #tpu.memory_space<vmem_shared>> -> memref<1x39424xf32, #tpu.memory_space<vmem_shared>>
        %dma_wait3A_411 = tpu.memref_squeeze %dma_wait3A_410 : memref<1x39424xf32, #tpu.memory_space<vmem_shared>> -> memref<39424xf32, #tpu.memory_space<vmem_shared>>
        tpu.wait_dma2 semaphore(%arg8 : memref<!tpu.dma_semaphore, #tpu.memory_space<semaphore_mem>>) src(%dma_wait3A_411 : memref<39424xf32, #tpu.memory_space<vmem_shared>>) dst(%dma_wait3A_408 : memref<39424xf32, #tpu.memory_space<hbm>>)
        %dma_wait3A_412 = tpu.memref_slice %arg4[%add3A_330, %mul3A_332] : memref<4096x315392xf32, #tpu.memory_space<hbm>> -> memref<1x39424xf32, #tpu.memory_space<hbm>>
        %dma_wait3A_413 = tpu.memref_squeeze %dma_wait3A_412 : memref<1x39424xf32, #tpu.memory_space<hbm>> -> memref<39424xf32, #tpu.memory_space<hbm>>
        %dma_wait3A_414 = arith.constant 0 : i32
        %dma_wait3A_415 = tpu.memref_slice %arg6[%min3A_323, %dma_wait3A_414] : memref<27x39424xf32, #tpu.memory_space<vmem_shared>> -> memref<1x39424xf32, #tpu.memory_space<vmem_shared>>
        %dma_wait3A_416 = tpu.memref_squeeze %dma_wait3A_415 : memref<1x39424xf32, #tpu.memory_space<vmem_shared>> -> memref<39424xf32, #tpu.memory_space<vmem_shared>>
        tpu.wait_dma2 semaphore(%arg8 : memref<!tpu.dma_semaphore, #tpu.memory_space<semaphore_mem>>) src(%dma_wait3A_416 : memref<39424xf32, #tpu.memory_space<vmem_shared>>) dst(%dma_wait3A_413 : memref<39424xf32, #tpu.memory_space<hbm>>)
      }
      %scan3A_16 = arith.constant 16 : i32
      %barrier3A_17 = arith.constant 0 : index
      tpu.barrier barrier_id(%barrier3A_17)
    }
    %scan3A_5 = arith.constant 4 : i32
    return
  }
}

</mosaic_0001>

<sc_bundles>
// kernel: kernel.3.cloned.1.call-start
scs
__scs_entry_jumppad:
0x0: {  	(pc) =	sbr.rel $0x88, $3  }
0x1: {  	(tag) =	ssettag $0x0;
	lr =	simm.s32 $0x1  }
0x2: {  	[smem:$0x3F9F] =	sst lr;
	_ =	strace $0xD0000000  }
0x3: {  	_ = 	snop  }
0x4: {  	_ = 	snop  }
0x5: {  	_ = 	snop  }
0x6: {  	_ = 	snop  }
0x7: {  	_ = 	snop  }
__scs_overlays_trampoline_lowered:
0x8: {  	[smem:$0x3FAE] =	sst s0  }
0x9: {  	[smem:$0x3FAF] =	sst s1  }
0xa: {  	[smem:$0x3FB0] =	sst s2  }
0xb: {  	[smem:$0x3FB1] =	sst s3  }
0xc: {  	[smem:$0x3FB2] =	sst s4  }
0xd: {  	[smem:$0x3FB3] =	sst s5  }
0xe: {  	[smem:$0x3FB4] =	sst s6  }
0xf: {  	[smem:$0x3FB5] =	sst s7  }
0x10: {  	[smem:$0x3FB6] =	sst s8  }
0x11: {  	[smem:$0x3FB7] =	sst s9;
	s0 =	simm.s32 @!p0 $0x0  }
0x12: {  	s1 =	sld [smem:$0x3F9D];
	s0 =	simm.s32 @p0 $0x1  }
0x13: {  	[smem:$0x3FB8] =	sst s0;
	s0 =	simm.s32 @!p1 $0x0  }
0x14: {  	s2 =	sld [smem:$0x3F9C];
	s0 =	simm.s32 @p1 $0x1  }
0x15: {  	[smem:$0x3FB9] =	sst s0;
	s0 =	simm.s32 @!p2 $0x0  }
0x16: {  	s3 =	sld [smem:$0x3FDB];
	s0 =	simm.s32 @p2 $0x1  }
0x17: {  	s4 =	simm.s32 $0x1BF5;
	[smem:$0x3FBB] =	sst s0  }
0x18: {  	s0 =	sld [smem:$0x3F9E];
	_ =	swait.ge [sflag:s4], $0x0  }
0x19: {  	s7 =	sld [smem:$0x3F9F]  }
0x1a: {  	s8 =	sadd.s32 $0xFFFFE003, lr  }
0x1b: {  	s9 =	sadd.s32 $0xFFFFFEF7, lr;
	s5 =	simm.s32 $0xFFFFFFFF;
	p2 =	slt.u32 s8, $0xFFFFF086  }
0x1c: {  	p1 =	slt.u32 s9, $0xF7A;
	s5 =	simm.s32 @!p2 $0x0  }
0x1d: {  	s5 =	simm.s32 @p1 $0x1;
	p0 =	seq.s32 s7, s2  }
0x1e: {  	s7 =	smul.u32 @!p0 $0xF7A, s2;
	p2 =	seq.s32 @!p0 s5, $0x0  }
0x1f: {  	s9 =	smul.u32 $0xF7A, s1;
	s8 =	simm.s32 @!p0 $0x1BF5;
	p2 =	por !p2, p0  }
0x20: {  	[sflag:s8] =	ssyncset.s32 @!p0 $0xFFFFF086;
	s6 =	sadd.s32 @!p0 s3, s7;
	s7 =	simm.s32 @!p0 $0x108  }
0x21: {  	s3 =	sadd.s32 s3, s9;
	s6 =	sadd.s32 @!p0 $0x88, s6;
	s7 =	simm.s32 @p2 $0x1082  }
0x22: {  	[simem:s7], [sflag:s8] =	dma.local @!p0 [hbm:s6], $0xF7A  }
0x23: {  	s9 =	sor.u32 $0xD0000000, s2;
	s6 =	simm.s32 $0x108;
	_ =	swait.ge @!p0 [sflag:s8], $0x0  }
0x24: {  	s3 =	sadd.s32 $0x88, s3;
	s6 =	simm.s32 @!p1 $0x1082;
	[sflag:s4] =	ssyncset.s32 $0xFFFFF086  }
0x25: {  	[simem:s6], [sflag:s4] =	dma.local [hbm:s3], $0xF7A  }
0x26: {  	[smem:$0x3F9F] =	sst s1;
	(tag) =	ssettag s2;
	_ =	strace s9  }
0x27: {  	s1 =	sld [smem:$0x3FAF]  }
0x28: {  	s2 =	sld [smem:$0x3FB0]  }
0x29: {  	s4 =	sld [smem:$0x3FB2]  }
0x2a: {  	p0 =	seq.s32 s5, $0x0;
	s5 =	sld [smem:$0x3FB3]  }
0x2b: {  	s6 =	sld [smem:$0x3FB4]  }
0x2c: {  	s7 =	sld [smem:$0x3FB5]  }
0x2d: {  	s3 =	simm.s32 $0x108;
	s8 =	sld [smem:$0x3FB6]  }
0x2e: {  	s3 =	simm.s32 @!p0 $0x1082;
	s9 =	sld [smem:$0x3FB7]  }
0x2f: {  	lr =	sadd.s32 s0, s3;
	s0 =	sld [smem:$0x3FAE]  }
0x30: {  	s3 =	sld [smem:$0x3FB1]  }
0x31: {  	[smem:$0x3FBA] =	sst s10  }
0x32: {  	s10 =	sld [smem:$0x3FB8];
	_ =	sdelay $0x3  }
0x33: {  	p0 =	seq.s32 s10, $0x1;
	s10 =	sld [smem:$0x3FBA];
	_ =	sdelay $0x3  }
0x34: {  	[smem:$0x3FBA] =	sst s10  }
0x35: {  	s10 =	sld [smem:$0x3FB9];
	_ =	sdelay $0x3  }
0x36: {  	p1 =	seq.s32 s10, $0x1;
	s10 =	sld [smem:$0x3FBA];
	_ =	sdelay $0x3  }
0x37: {  	[smem:$0x3FBA] =	sst s10  }
0x38: {  	s10 =	sld [smem:$0x3FBB]  }
0x39: {  	_ = 	snop;
	(pc) =	sbr.ind lr, $3  }
0x3a: {  	_ = 	snop  }
0x3b: {  	_ = 	snop  }
0x3c: {  	p2 =	seq.s32 s10, $0x1;
	s10 =	sld [smem:$0x3FBA]  }
0x3d: {  	_ =	shalt  }
0x3e: {  	_ =	shalt  }
0x3f: {  	_ =	shalt  }
0x40: {  	_ =	shalt  }
0x41: {  	_ =	shalt  }
0x42: {  	_ =	shalt  }
0x43: {  	_ =	shalt  }
0x44: {  	_ =	shalt  }
0x45: {  	_ =	shalt  }
0x46: {  	_ =	shalt  }
0x47: {  	_ =	shalt  }
0x48: {  	_ =	shalt  }
0x49: {  	_ =	shalt  }
0x4a: {  	_ =	shalt  }
0x4b: {  	_ =	shalt  }
0x4c: {  	_ =	shalt  }
0x4d: {  	_ =	shalt  }
0x4e: {  	_ =	shalt  }
0x4f: {  	_ =	shalt  }
0x50: {  	_ =	shalt  }
0x51: {  	_ =	shalt  }
0x52: {  	_ =	shalt  }
0x53: {  	_ =	shalt  }
0x54: {  	_ =	shalt  }
0x55: {  	_ =	shalt  }
0x56: {  	_ =	shalt  }
0x57: {  	_ =	shalt  }
0x58: {  	_ =	shalt  }
0x59: {  	_ =	shalt  }
0x5a: {  	_ =	shalt  }
0x5b: {  	_ =	shalt  }
0x5c: {  	_ =	shalt  }
0x5d: {  	_ =	shalt  }
0x5e: {  	_ =	shalt  }
0x5f: {  	_ =	shalt  }
0x60: {  	_ =	shalt  }
0x61: {  	_ =	shalt  }
0x62: {  	_ =	shalt  }
0x63: {  	_ =	shalt  }
0x64: {  	_ =	shalt  }
0x65: {  	_ =	shalt  }
0x66: {  	_ =	shalt  }
0x67: {  	_ =	shalt  }
0x68: {  	_ =	shalt  }
0x69: {  	_ =	shalt  }
0x6a: {  	_ =	shalt  }
0x6b: {  	_ =	shalt  }
0x6c: {  	_ =	shalt  }
0x6d: {  	_ =	shalt  }
0x6e: {  	_ =	shalt  }
0x6f: {  	_ =	shalt  }
0x70: {  	_ =	shalt  }
0x71: {  	_ =	shalt  }
0x72: {  	_ =	shalt  }
0x73: {  	_ =	shalt  }
0x74: {  	_ =	shalt  }
0x75: {  	_ =	shalt  }
0x76: {  	_ =	shalt  }
0x77: {  	_ =	shalt  }
0x78: {  	_ =	shalt  }
0x79: {  	_ =	shalt  }
0x7a: {  	_ =	shalt  }
0x7b: {  	_ =	shalt  }
0x7c: {  	_ =	shalt  }
0x7d: {  	_ =	shalt  }
0x7e: {  	_ =	shalt  }
0x7f: {  	_ =	shalt  }
0x80: {  	_ =	shalt  }
0x81: {  	_ =	shalt  }
0x82: {  	_ =	shalt  }
0x83: {  	_ =	shalt  }
0x84: {  	_ =	shalt  }
0x85: {  	_ =	shalt  }
0x86: {  	_ =	shalt  }
0x87: {  	_ =	shalt  }
.Lfunc_end0:
.L_simem_size_0:
called_computation.2_lowered:
.L_overlay_start_0:
0x88: {  	s2 =	sld [smem:$0x3FD9]  }
0x89: {  	s3 =	sld [smem:$0x3FFE];
	_ =	sdelay $0x1  }
0x8a: {  	s1 =	srdreg.scid  }
0x8b: {  	s0 =	sand.u32 $0x1, s1  }
0x8c: {  	s17 =	sshll.u32 s0, $0xA;
	s2 =	sadd.s32 s3, s2  }
0x8d: {  	s2 =	sadd.s32 s2, s17  }
0x8e: {  	[smem:$0x3FC6] =	sst s2  }
0x8f: {  	_ = 	snop  }
0x90: {  	s2 =	sld [smem:$0x3FC9]  }
0x91: {  	s18 =	sld [smem:$0x3FD0];
	(tm) =	ssettm $0x1  }
0x92: {  	s4 =	sld [smem:$0x3FFB];
	_ =	sdelay $0x3  }
0x93: {  	_ =	strace s4  }
0x94: {  	s4 =	sld [smem:$0x3FFC];
	_ =	sdelay $0x3  }
0x95: {  	_ =	strace s4  }
0x96: {  	s4 =	sld [smem:$0x3FFD];
	_ =	sdelay $0x3  }
0x97: {  	_ =	strace s4  }
0x98: {  	_ =	strace $0x8FFFFFFF  }
0x99: {  	s19 =	sld [smem:$0x3FDB];
	_ =	sdelay $0x1  }
0x9a: {  	s5 =	simm.s32 $_scs_section_size  }
0x9b: {  	s6 =	simm.s32 $_size__tile_overlayer_lowered;
	s7 =	simm.s32 $_tile_overlayer_lowered  }
0x9c: {  	s22 =	simm.s32 $0x1BFF;
	s21 =	sshll.u32 s7, $0x1;
	s4 =	sadd.s32 s5, s19  }
0x9d: {  	s8 =	simm.s32 $0x0;
	s20 =	sshll.u32 s6, $0x1;
	s6 =	sadd.s32 s21, s4  }
0x9e: {  	[timem:s8], [sflag:s22] =	dma.local [hbm:s6], s20  }
0x9f: {  	_ =	swait.ge [sflag:s22], s20  }
0xa0: {  	s5 =	ssub.s32 $0x0, s20;
	[sflag:s22] =	ssyncset.done $0x0  }
0xa1: {  	[sflag:s22] =	ssyncadd.s32 s5;
	_ =	sdelay $0x1  }
0xa2: {  	s23 =	simm.s32 $0x1B8B  }
0xa3: {  	_ =	swait.ge [sflag:s23], $0x1  }
0xa4: {  	[sflag:s23] =	ssyncset.done $0x0  }
0xa5: {  	s25 =	simm.s32 $0x1B8E;
	s24 =	sld [smem:$0x3FFE];
	[sflag:s23] =	ssyncadd.s32 $0xFFFFFFFF  }
0xa6: {  	s26 =	simm.s32 $execute0_lowered;
	[smem:$0x3FD2] =	sst s25  }
0xa7: {  	s6 =	sshll.u32 s26, $0x1;
	_ =	strace $0x80000049;
	[dreg:$0x1] =	wrdreg $0xFFFFFFFF  }
0xa8: {  	s28 =	simm.s32 $_size_execute0_lowered;
	s4 =	sadd.s32 s4, s6;
	[dreg:$0x0] =	wrdreg $0x0  }
0xa9: {  	s6 =	sshll.u32 s28, $0x1;
	[dreg:$0x2] =	wrdreg s4  }
0xaa: {  	[dreg:$0x3] =	wrdreg s6  }
0xab: {  	[dreg:$0x4] =	wrdreg $0xC0  }
0xac: {  	_ =	task [dreg:s8], $0x5FFFF  }
0xad: {  	[dreg:$0x1] =	wrdreg $0xFFFFFFFF  }
0xae: {  	[dreg:$0x0] =	wrdreg $0x60  }
0xaf: {  	[dreg:$0x2] =	wrdreg s24  }
0xb0: {  	[dreg:$0x3] =	wrdreg s2  }
0xb1: {  	[dreg:$0x4] =	wrdreg s18  }
0xb2: {  	[dreg:$0x5] =	wrdreg $0x1000  }
0xb3: {  	[dreg:$0x6] =	wrdreg $0x9  }
0xb4: {  	_ =	task.clear_ibuf [dreg:s8], $0x7FFFF;
	_ =	strace $0x90000049  }
0xb5: {  	s29 =	simm.s32 $0x9;
	_ =	strace $0x8000004B  }
0xb6: {  	_ =	swait.ge [sflag:s29], $0x1  }
0xb7: {  	[sflag:s29] =	ssyncadd.s32 $0xFFFFFFFF  }
0xb8: {  	_ =	strace $0x9000004B  }
0xb9: {  	_ =	sfence  }
0xba: {  	s30 =	sld [smem:$0x0];
	_ =	sdelay $0x2  }
0xbb: {  	s31 =	sshll.u32 s1, $0xD;
	s1 =	sshrl.u32 s1, $0x2  }
0xbc: {  	s3 =	sand.u32 $0x4000, s31;
	s1 =	sadd.s32 s1, s30  }
0xbd: {  	s0 =	sor.u32 s3, s0;
	s1 =	sshll.u32 s1, $0x11  }
0xbe: {  	s0 =	sor.u32 s1, s0  }
0xbf: {  	s0 =	sadd.s32 $0x8F2B, s0  }
0xc0: {  	[sflag:s0] =	ssyncadd.remote.s32 $0x1  }
0xc1: {  	_ =	sfence.sel $0xFFFF  }
0xc2: {  	[dreg:$0x0] =	wrdreg $0xFFFFFFFF;
	(pc) =	sbr.abs _section_cstart, $3  }
0xc3: {  	[dreg:$0x1] =	wrdreg $0xFFFFFFFF  }
0xc4: {  	_ =	task.clear_ibuf [dreg:s8], $0x2FFFF;
	_ =	strace $0x9FFFFFFF  }
0xc5: {  	(tm) =	ssettm $0x7FFFFFFF  }
tec
execute0_lowered:
.L_overlay_start_1:
0x0: {  	(tag) =	ssettag $0x1  }
0x1: {  	s4 =	rddreg [dreg:$0x0]  }
0x2: {  	s5 =	rddreg [dreg:$0x1]  }
0x3: {  	s8 =	rddreg [dreg:$0x2]  }
0x4: {  	s1 =	rddreg [dreg:$0x3]  }
0x5: {  	s0 =	rddreg [dreg:$0x4]  }
0x6: {  	s3 =	srdreg.scid;
	s10 =	stileid.u32;
	s2 =	simm.s32 $0x0  }
0x7: {  	s12 =	simm.s32 $0x1;
	s13 =	simm.s32 $0x80;
	s14 =	simm.s32 $0x2  }
0x8: {  	s15 =	simm.s32 $0x0;
	s3 =	sand.u32 $0x1, s3;
	s6 =	smul.u32 $0x4D00000, s10  }
0x9: {  	[smem:$0x7FF] =	sst s2;
	s4 =	sadd.s32 $0xC00, s4;
	s26 =	sshll.u32 s10, $0x5  }
0xa: {  	p0 =	sne.s32 s10, $0x0;
	s31 =	sshll.u32 s10, $0x6;
	s7 =	smul.u32 $0x4D000, s3  }
0xb: {  	_ =	strace $0x8000004A;
	s9 =	ssub.s32 $0x2, s3;
	s5 =	sadd.s32 s5, s26  }
0xc: {  	s10 =	sshrl.u32 @!p0 s1, $0x3;
	s11 =	sshrl.u32 s9, $0x1;
	s6 =	sor.u32 s7, s6  }
0xd: {  	s25 =	ssub.s32 s9, s11;
	s9 =	simm.s32 $0x3;
	s28 =	sadd.s32 $0x268000, s6  }
0xe: {  	s11 =	sor.u32 $0x1C02, s31;
	s30 =	sshrl.u32 s6, $0x3;
	s29 =	sshrl.u32 s28, $0x3  }
0xf: {  	s6 =	smax.u32 s25, $0x1;
	s7 =	sadd.s32 s29, s8;
	s8 =	sadd.s32 s30, s8  }
.LBB2_1:
0x10: {  	[tilespmem:s2], [sflag:$0x3] =	stream.linear.gather [hbm4b:s5+s2], $0x100, $0x38;
	[tilespmem:$0x104E0] =	vst v63  }
0x11: {  	_ =	swait.ge [sflag:s9], $0x100  }
0x12: {  	s16 =	smov.u32 s8;
	[sflag:s9] =	ssyncset.done $0x0  }
0x13: {  	s17 =	smov.u32 s7;
	s18 =	simm.s32 $0x0;
	[sflag:s9] =	ssyncadd.s32 $0xFFFFFF00  }
.LBB2_2:
0x14: {  	s19 =	sshll.u32 s18, $0x1  }
0x15: {  	s19 =	sor.u32 s3, s19  }
0x16: {  	s19 =	smul.u32 @!p0 $0x26800, s19;
	_ =	sdelay $0x1  }
0x17: {  	s20 =	simm.s32 @!p0 $0x1C01;
	s19 =	sadd.s32 @!p0 s4, s19  }
0x18: {  	[spmem:s10], [sflag:s20] =	dma.local @!p0 [hbm:s19], $0x26800  }
0x19: {  	s19 =	simm.s32 @!p0 $0x1  }
0x1a: {  	_ =	swait.ge @!p0 [sflag:s19], $0x26800  }
0x1b: {  	[sflag:s19] =	ssyncset.done @!p0 $0x0  }
0x1c: {  	[sflag:s19] =	ssyncadd.s32 @!p0 $0xFFFD9800  }
0x1d: {  	s20 =	simm.s32 $0x0;
	s19 =	simm.s32 $0x0;
	[bflag:$0x0] =	sbarrier.arrive $0xFFFF  }
.LBB2_3:
0x1e: {  	v0 =	vld [tilespmem:s19+$0x0];
	_ =	sdelay $0x4  }
0x1f: {  	(v2sf) =	vpush v0, $0x0;
	_ =	sdelay $0xe  }
0x20: {  	s21 =	spop (v2sf)  }
0x21: {  	p1 =	sgt.s32 s21, $0x0  }
0x22: {  	s21 =	simm.s32 @!p1 $0x0  }
0x23: {  	s21 =	smin.u32 s21, $0x1A  }
0x24: {  	s22 =	sshrl.u32 s21, $0x3  }
0x25: {  	s22 =	smul.u32 $0x134000, s22;
	_ =	sdelay $0x1  }
0x26: {  	s21 =	sshll.u32 s21, $0x7;
	s22 =	sshrl.u32 s22, $0x2  }
0x27: {  	s21 =	sand.u32 $0x380, s21;
	s22 =	sadd.s32 s22, s1  }
0x28: {  	s22 =	sadd.s32 s21, s22  }
0x29: {  	s21 =	sadd.s32 s20, s16;
	s22 =	sshrl.u32 s22, $0x3  }
0x2a: {  	[hbm:s21@s13], [sflag:s11] =	dma.strided [spmem:s22@s13], $0x1340, s12, $0x10   }
0x2b: {  	(v2sf) =	vpush v0, $0x1;
	_ =	sdelay $0xe  }
0x2c: {  	s22 =	spop (v2sf)  }
0x2d: {  	p1 =	sgt.s32 s22, $0x0  }
0x2e: {  	s22 =	simm.s32 @!p1 $0x0  }
0x2f: {  	s22 =	smin.u32 s22, $0x1A  }
0x30: {  	s23 =	sshrl.u32 s22, $0x3  }
0x31: {  	s23 =	smul.u32 $0x134000, s23;
	_ =	sdelay $0x1  }
0x32: {  	s22 =	sshll.u32 s22, $0x7;
	s23 =	sshrl.u32 s23, $0x2  }
0x33: {  	s22 =	sand.u32 $0x380, s22;
	s23 =	sadd.s32 s23, s1  }
0x34: {  	s22 =	sadd.s32 s22, s23  }
0x35: {  	s26 =	sadd.s32 $0x10, s21;
	s22 =	sshrl.u32 s22, $0x3  }
0x36: {  	[hbm:s26@s13], [sflag:s11] =	dma.strided [spmem:s22@s13], $0x1340, s12, $0x10   }
0x37: {  	(v2sf) =	vpush v0, $0x2;
	_ =	sdelay $0xe  }
0x38: {  	s22 =	spop (v2sf)  }
0x39: {  	p1 =	sgt.s32 s22, $0x0  }
0x3a: {  	s22 =	simm.s32 @!p1 $0x0  }
0x3b: {  	s22 =	smin.u32 s22, $0x1A  }
0x3c: {  	s28 =	sshrl.u32 s22, $0x3  }
0x3d: {  	s23 =	smul.u32 $0x134000, s28;
	_ =	sdelay $0x1  }
0x3e: {  	s22 =	sshll.u32 s22, $0x7;
	s23 =	sshrl.u32 s23, $0x2  }
0x3f: {  	s22 =	sand.u32 $0x380, s22;
	s23 =	sadd.s32 s23, s1  }
0x40: {  	s22 =	sadd.s32 s22, s23  }
0x41: {  	s29 =	sadd.s32 $0x20, s21;
	s22 =	sshrl.u32 s22, $0x3  }
0x42: {  	[hbm:s29@s13], [sflag:s11] =	dma.strided [spmem:s22@s13], $0x1340, s12, $0x10   }
0x43: {  	(v2sf) =	vpush v0, $0x3;
	_ =	sdelay $0xe  }
0x44: {  	s22 =	spop (v2sf)  }
0x45: {  	p1 =	sgt.s32 s22, $0x0  }
0x46: {  	s22 =	simm.s32 @!p1 $0x0  }
0x47: {  	s22 =	smin.u32 s22, $0x1A  }
0x48: {  	s30 =	sshrl.u32 s22, $0x3  }
0x49: {  	s23 =	smul.u32 $0x134000, s30;
	_ =	sdelay $0x1  }
0x4a: {  	s22 =	sshll.u32 s22, $0x7;
	s23 =	sshrl.u32 s23, $0x2  }
0x4b: {  	s22 =	sand.u32 $0x380, s22;
	s23 =	sadd.s32 s23, s1  }
0x4c: {  	s22 =	sadd.s32 s22, s23  }
0x4d: {  	s31 =	sadd.s32 $0x30, s21;
	s22 =	sshrl.u32 s22, $0x3  }
0x4e: {  	[hbm:s31@s13], [sflag:s11] =	dma.strided [spmem:s22@s13], $0x1340, s12, $0x10   }
0x4f: {  	(v2sf) =	vpush v0, $0x4;
	_ =	sdelay $0xe  }
0x50: {  	s22 =	spop (v2sf)  }
0x51: {  	p1 =	sgt.s32 s22, $0x0  }
0x52: {  	s22 =	simm.s32 @!p1 $0x0  }
0x53: {  	s22 =	smin.u32 s22, $0x1A  }
0x54: {  	s24 =	sshrl.u32 s22, $0x3  }
0x55: {  	s23 =	smul.u32 $0x134000, s24;
	_ =	sdelay $0x1  }
0x56: {  	s22 =	sshll.u32 s22, $0x7;
	s23 =	sshrl.u32 s23, $0x2  }
0x57: {  	s22 =	sand.u32 $0x380, s22;
	s23 =	sadd.s32 s23, s1  }
0x58: {  	s22 =	sadd.s32 s22, s23  }
0x59: {  	s25 =	sadd.s32 $0x40, s21;
	s22 =	sshrl.u32 s22, $0x3  }
0x5a: {  	[hbm:s25@s13], [sflag:s11] =	dma.strided [spmem:s22@s13], $0x1340, s12, $0x10   }
0x5b: {  	(v2sf) =	vpush v0, $0x5;
	_ =	sdelay $0xe  }
0x5c: {  	s22 =	spop (v2sf)  }
0x5d: {  	p1 =	sgt.s32 s22, $0x0  }
0x5e: {  	s22 =	simm.s32 @!p1 $0x0  }
0x5f: {  	s22 =	smin.u32 s22, $0x1A  }
0x60: {  	s26 =	sshrl.u32 s22, $0x3  }
0x61: {  	s23 =	smul.u32 $0x134000, s26;
	_ =	sdelay $0x1  }
0x62: {  	s22 =	sshll.u32 s22, $0x7;
	s23 =	sshrl.u32 s23, $0x2  }
0x63: {  	s22 =	sand.u32 $0x380, s22;
	s23 =	sadd.s32 s23, s1  }
0x64: {  	s22 =	sadd.s32 s22, s23  }
0x65: {  	s28 =	sadd.s32 $0x50, s21;
	s22 =	sshrl.u32 s22, $0x3  }
0x66: {  	[hbm:s28@s13], [sflag:s11] =	dma.strided [spmem:s22@s13], $0x1340, s12, $0x10   }
0x67: {  	(v2sf) =	vpush v0, $0x6;
	_ =	sdelay $0xe  }
0x68: {  	s22 =	spop (v2sf)  }
0x69: {  	p1 =	sgt.s32 s22, $0x0  }
0x6a: {  	s22 =	simm.s32 @!p1 $0x0  }
0x6b: {  	s22 =	smin.u32 s22, $0x1A  }
0x6c: {  	s29 =	sshrl.u32 s22, $0x3  }
0x6d: {  	s23 =	smul.u32 $0x134000, s29;
	_ =	sdelay $0x1  }
0x6e: {  	s22 =	sshll.u32 s22, $0x7;
	s23 =	sshrl.u32 s23, $0x2  }
0x6f: {  	s22 =	sand.u32 $0x380, s22;
	s23 =	sadd.s32 s23, s1  }
0x70: {  	s22 =	sadd.s32 s22, s23  }
0x71: {  	s30 =	sadd.s32 $0x60, s21;
	s22 =	sshrl.u32 s22, $0x3  }
0x72: {  	[hbm:s30@s13], [sflag:s11] =	dma.strided [spmem:s22@s13], $0x1340, s12, $0x10   }
0x73: {  	(v2sf) =	vpush v0, $0x7;
	_ =	sdelay $0xe  }
0x74: {  	s22 =	spop (v2sf)  }
0x75: {  	p1 =	sgt.s32 s22, $0x0  }
0x76: {  	s22 =	simm.s32 @!p1 $0x0  }
0x77: {  	s22 =	smin.u32 s22, $0x1A  }
0x78: {  	s31 =	sshrl.u32 s22, $0x3  }
0x79: {  	s23 =	smul.u32 $0x134000, s31;
	_ =	sdelay $0x1  }
0x7a: {  	s22 =	sshll.u32 s22, $0x7;
	s23 =	sshrl.u32 s23, $0x2  }
0x7b: {  	s22 =	sand.u32 $0x380, s22;
	s23 =	sadd.s32 s23, s1  }
0x7c: {  	s22 =	sadd.s32 s22, s23  }
0x7d: {  	s21 =	sadd.s32 $0x70, s21;
	s22 =	sshrl.u32 s22, $0x3  }
0x7e: {  	[hbm:s21@s13], [sflag:s11] =	dma.strided [spmem:s22@s13], $0x1340, s12, $0x10   }
0x7f: {  	(v2sf) =	vpush v0, $0x8;
	_ =	sdelay $0xe  }
0x80: {  	s21 =	spop (v2sf)  }
0x81: {  	p1 =	sgt.s32 s21, $0x0  }
0x82: {  	s21 =	simm.s32 @!p1 $0x0  }
0x83: {  	s21 =	smin.u32 s21, $0x1A  }
0x84: {  	s24 =	sshrl.u32 s21, $0x3  }
0x85: {  	s22 =	smul.u32 $0x134000, s24;
	_ =	sdelay $0x1  }
0x86: {  	s21 =	sshll.u32 s21, $0x7;
	s22 =	sshrl.u32 s22, $0x2  }
0x87: {  	s21 =	sand.u32 $0x380, s21;
	s22 =	sadd.s32 s22, s1  }
0x88: {  	s22 =	sadd.s32 s21, s22  }
0x89: {  	s21 =	sadd.s32 s20, s17;
	s22 =	sshrl.u32 s22, $0x3  }
0x8a: {  	[hbm:s21@s13], [sflag:s11] =	dma.strided [spmem:s22@s13], $0x1340, s12, $0x10   }
0x8b: {  	(v2sf) =	vpush v0, $0x9;
	_ =	sdelay $0xe  }
0x8c: {  	s22 =	spop (v2sf)  }
0x8d: {  	p1 =	sgt.s32 s22, $0x0  }
0x8e: {  	s22 =	simm.s32 @!p1 $0x0  }
0x8f: {  	s22 =	smin.u32 s22, $0x1A  }
0x90: {  	s25 =	sshrl.u32 s22, $0x3  }
0x91: {  	s23 =	smul.u32 $0x134000, s25;
	_ =	sdelay $0x1  }
0x92: {  	s22 =	sshll.u32 s22, $0x7;
	s23 =	sshrl.u32 s23, $0x2  }
0x93: {  	s22 =	sand.u32 $0x380, s22;
	s23 =	sadd.s32 s23, s1  }
0x94: {  	s22 =	sadd.s32 s22, s23  }
0x95: {  	s26 =	sadd.s32 $0x10, s21;
	s22 =	sshrl.u32 s22, $0x3  }
0x96: {  	[hbm:s26@s13], [sflag:s11] =	dma.strided [spmem:s22@s13], $0x1340, s12, $0x10   }
0x97: {  	(v2sf) =	vpush v0, $0xA;
	_ =	sdelay $0xe  }
0x98: {  	s22 =	spop (v2sf)  }
0x99: {  	p1 =	sgt.s32 s22, $0x0  }
0x9a: {  	s22 =	simm.s32 @!p1 $0x0  }
0x9b: {  	s22 =	smin.u32 s22, $0x1A  }
0x9c: {  	s28 =	sshrl.u32 s22, $0x3  }
0x9d: {  	s23 =	smul.u32 $0x134000, s28;
	_ =	sdelay $0x1  }
0x9e: {  	s22 =	sshll.u32 s22, $0x7;
	s23 =	sshrl.u32 s23, $0x2  }
0x9f: {  	s22 =	sand.u32 $0x380, s22;
	s23 =	sadd.s32 s23, s1  }
0xa0: {  	s22 =	sadd.s32 s22, s23  }
0xa1: {  	s29 =	sadd.s32 $0x20, s21;
	s22 =	sshrl.u32 s22, $0x3  }
0xa2: {  	[hbm:s29@s13], [sflag:s11] =	dma.strided [spmem:s22@s13], $0x1340, s12, $0x10   }
0xa3: {  	(v2sf) =	vpush v0, $0xB;
	_ =	sdelay $0xe  }
0xa4: {  	s22 =	spop (v2sf)  }
0xa5: {  	p1 =	sgt.s32 s22, $0x0  }
0xa6: {  	s22 =	simm.s32 @!p1 $0x0  }
0xa7: {  	s22 =	smin.u32 s22, $0x1A  }
0xa8: {  	s30 =	sshrl.u32 s22, $0x3  }
0xa9: {  	s23 =	smul.u32 $0x134000, s30;
	_ =	sdelay $0x1  }
0xaa: {  	s22 =	sshll.u32 s22, $0x7;
	s23 =	sshrl.u32 s23, $0x2  }
0xab: {  	s22 =	sand.u32 $0x380, s22;
	s23 =	sadd.s32 s23, s1  }
0xac: {  	s22 =	sadd.s32 s22, s23  }
0xad: {  	s31 =	sadd.s32 $0x30, s21;
	s22 =	sshrl.u32 s22, $0x3  }
0xae: {  	[hbm:s31@s13], [sflag:s11] =	dma.strided [spmem:s22@s13], $0x1340, s12, $0x10   }
0xaf: {  	(v2sf) =	vpush v0, $0xC;
	_ =	sdelay $0xe  }
0xb0: {  	s22 =	spop (v2sf)  }
0xb1: {  	p1 =	sgt.s32 s22, $0x0  }
0xb2: {  	s22 =	simm.s32 @!p1 $0x0  }
0xb3: {  	s22 =	smin.u32 s22, $0x1A  }
0xb4: {  	s24 =	sshrl.u32 s22, $0x3  }
0xb5: {  	s23 =	smul.u32 $0x134000, s24;
	_ =	sdelay $0x1  }
0xb6: {  	s22 =	sshll.u32 s22, $0x7;
	s23 =	sshrl.u32 s23, $0x2  }
0xb7: {  	s22 =	sand.u32 $0x380, s22;
	s23 =	sadd.s32 s23, s1  }
0xb8: {  	s22 =	sadd.s32 s22, s23  }
0xb9: {  	s25 =	sadd.s32 $0x40, s21;
	s22 =	sshrl.u32 s22, $0x3  }
0xba: {  	[hbm:s25@s13], [sflag:s11] =	dma.strided [spmem:s22@s13], $0x1340, s12, $0x10   }
0xbb: {  	(v2sf) =	vpush v0, $0xD;
	_ =	sdelay $0xe  }
0xbc: {  	s22 =	spop (v2sf)  }
0xbd: {  	p1 =	sgt.s32 s22, $0x0  }
0xbe: {  	s22 =	simm.s32 @!p1 $0x0  }
0xbf: {  	s22 =	smin.u32 s22, $0x1A  }
0xc0: {  	s26 =	sshrl.u32 s22, $0x3  }
0xc1: {  	s23 =	smul.u32 $0x134000, s26;
	_ =	sdelay $0x1  }
0xc2: {  	s22 =	sshll.u32 s22, $0x7;
	s23 =	sshrl.u32 s23, $0x2  }
0xc3: {  	s22 =	sand.u32 $0x380, s22;
	s23 =	sadd.s32 s23, s1  }
0xc4: {  	s22 =	sadd.s32 s22, s23  }
0xc5: {  	s28 =	sadd.s32 $0x50, s21;
	s22 =	sshrl.u32 s22, $0x3  }
0xc6: {  	[hbm:s28@s13], [sflag:s11] =	dma.strided [spmem:s22@s13], $0x1340, s12, $0x10   }
0xc7: {  	(v2sf) =	vpush v0, $0xE;
	_ =	sdelay $0xe  }
0xc8: {  	s22 =	spop (v2sf)  }
0xc9: {  	p1 =	sgt.s32 s22, $0x0  }
0xca: {  	s22 =	simm.s32 @!p1 $0x0  }
0xcb: {  	s22 =	smin.u32 s22, $0x1A  }
0xcc: {  	s29 =	sshrl.u32 s22, $0x3  }
0xcd: {  	s23 =	smul.u32 $0x134000, s29;
	_ =	sdelay $0x1  }
0xce: {  	s22 =	sshll.u32 s22, $0x7;
	s23 =	sshrl.u32 s23, $0x2  }
0xcf: {  	s22 =	sand.u32 $0x380, s22;
	s23 =	sadd.s32 s23, s1  }
0xd0: {  	s22 =	sadd.s32 s22, s23  }
0xd1: {  	s30 =	sadd.s32 $0x60, s21;
	s22 =	sshrl.u32 s22, $0x3  }
0xd2: {  	[hbm:s30@s13], [sflag:s11] =	dma.strided [spmem:s22@s13], $0x1340, s12, $0x10   }
0xd3: {  	(v2sf) =	vpush v0, $0xF;
	_ =	sdelay $0xe  }
0xd4: {  	s22 =	spop (v2sf)  }
0xd5: {  	p1 =	sgt.s32 s22, $0x0  }
0xd6: {  	s22 =	simm.s32 @!p1 $0x0  }
0xd7: {  	s22 =	smin.u32 s22, $0x1A  }
0xd8: {  	s31 =	sshrl.u32 s22, $0x3  }
0xd9: {  	s23 =	smul.u32 $0x134000, s31;
	_ =	sdelay $0x1  }
0xda: {  	s22 =	sshll.u32 s22, $0x7;
	s23 =	sshrl.u32 s23, $0x2  }
0xdb: {  	s22 =	sand.u32 $0x380, s22;
	s23 =	sadd.s32 s23, s1  }
0xdc: {  	s22 =	sadd.s32 s22, s23  }
0xdd: {  	s21 =	sadd.s32 $0x70, s21;
	s22 =	sshrl.u32 s22, $0x3  }
0xde: {  	[hbm:s21@s13], [sflag:s11] =	dma.strided [spmem:s22@s13], $0x1340, s12, $0x10   }
0xdf: {  	_ =	swait.ge [sflag:s14], $0x1340  }
0xe0: {  	[sflag:s14] =	ssyncset.done $0x0  }
0xe1: {  	[sflag:s14] =	ssyncadd.s32 $0xFFFFECC0  }
0xe2: {  	_ =	swait.ge [sflag:s14], $0x1340  }
0xe3: {  	[sflag:s14] =	ssyncset.done $0x0  }
0xe4: {  	[sflag:s14] =	ssyncadd.s32 $0xFFFFECC0  }
0xe5: {  	_ =	swait.ge [sflag:s14], $0x1340  }
0xe6: {  	[sflag:s14] =	ssyncset.done $0x0  }
0xe7: {  	[sflag:s14] =	ssyncadd.s32 $0xFFFFECC0  }
0xe8: {  	_ =	swait.ge [sflag:s14], $0x1340  }
0xe9: {  	[sflag:s14] =	ssyncset.done $0x0  }
0xea: {  	[sflag:s14] =	ssyncadd.s32 $0xFFFFECC0  }
0xeb: {  	_ =	swait.ge [sflag:s14], $0x1340  }
0xec: {  	[sflag:s14] =	ssyncset.done $0x0  }
0xed: {  	[sflag:s14] =	ssyncadd.s32 $0xFFFFECC0  }
0xee: {  	_ =	swait.ge [sflag:s14], $0x1340  }
0xef: {  	[sflag:s14] =	ssyncset.done $0x0  }
0xf0: {  	[sflag:s14] =	ssyncadd.s32 $0xFFFFECC0  }
0xf1: {  	_ =	swait.ge [sflag:s14], $0x1340  }
0xf2: {  	[sflag:s14] =	ssyncset.done $0x0  }
0xf3: {  	[sflag:s14] =	ssyncadd.s32 $0xFFFFECC0  }
0xf4: {  	_ =	swait.ge [sflag:s14], $0x1340  }
0xf5: {  	[sflag:s14] =	ssyncset.done $0x0  }
0xf6: {  	[sflag:s14] =	ssyncadd.s32 $0xFFFFECC0  }
0xf7: {  	_ =	swait.ge [sflag:s14], $0x1340  }
0xf8: {  	[sflag:s14] =	ssyncset.done $0x0  }
0xf9: {  	[sflag:s14] =	ssyncadd.s32 $0xFFFFECC0  }
0xfa: {  	_ =	swait.ge [sflag:s14], $0x1340  }
0xfb: {  	[sflag:s14] =	ssyncset.done $0x0  }
0xfc: {  	[sflag:s14] =	ssyncadd.s32 $0xFFFFECC0  }
0xfd: {  	_ =	swait.ge [sflag:s14], $0x1340  }
0xfe: {  	[sflag:s14] =	ssyncset.done $0x0  }
0xff: {  	[sflag:s14] =	ssyncadd.s32 $0xFFFFECC0  }
0x100: {  	_ =	swait.ge [sflag:s14], $0x1340  }
0x101: {  	[sflag:s14] =	ssyncset.done $0x0  }
0x102: {  	[sflag:s14] =	ssyncadd.s32 $0xFFFFECC0  }
0x103: {  	_ =	swait.ge [sflag:s14], $0x1340  }
0x104: {  	[sflag:s14] =	ssyncset.done $0x0  }
0x105: {  	[sflag:s14] =	ssyncadd.s32 $0xFFFFECC0  }
0x106: {  	_ =	swait.ge [sflag:s14], $0x1340  }
0x107: {  	[sflag:s14] =	ssyncset.done $0x0  }
0x108: {  	[sflag:s14] =	ssyncadd.s32 $0xFFFFECC0  }
0x109: {  	p1 =	sne.s32 s20, $0x906000;
	_ =	swait.ge [sflag:s14], $0x1340  }
.Ltmp0:
0x10a: {  	[sflag:s14] =	ssyncset.done $0x0;
	(pc) =	sbr.rel @p1 .LBB2_3-.Ltmp0, $4  }
0x10b: {  	[sflag:s14] =	ssyncadd.s32 $0xFFFFECC0  }
0x10c: {  	_ =	swait.ge [sflag:s14], $0x1340  }
0x10d: {  	[sflag:s14] =	ssyncset.done $0x0  }
0x10e: {  	s19 =	sadd.s32 $0x10, s19;
	s20 =	sadd.s32 $0x9A000, s20;
	[sflag:s14] =	ssyncadd.s32 $0xFFFFECC0  }
0x10f: {  	s18 =	sadd.s32 $0x1, s18  }
0x110: {  	p1 =	sne.s32 s18, $0x4  }
.Ltmp1:
0x111: {  	_ = 	snop;
	(pc) =	sbr.rel @p1 .LBB2_2-.Ltmp1, $3  }
0x112: {  	_ =	sdelay $0x1  }
0x113: {  	[bflag:$0x0] =	sbarrier.arrive $0xFFFF  }
0x114: {  	s17 =	sadd.s32 $0x13400, s17;
	s16 =	sadd.s32 $0x13400, s16  }
0x115: {  	s15 =	sadd.s32 $0x1, s15  }
0x116: {  	p1 =	sne.s32 s15, s6  }
.Ltmp2:
0x117: {  	_ = 	snop;
	(pc) =	sbr.rel @p1 .LBB2_1-.Ltmp2, $1  }
0x118: {  	_ =	sdelay $0x3  }
0x119: {  	_ =	sfence.sel $0x180000  }
0x11a: {  	[bflag:$0x0] =	sbarrier.arrive $0xFFFF  }
0x11b: {  	_ =	strace $0x9000004A  }
0x11c: {  	s0 =	sadd.s32 @!p0 $0x100000, s0;
	[bflag:$0x2] =	sbarrier.arrive $0xFFFF  }
0x11d: {  	[sflag:s0] =	ssyncadd.tile.s32 @!p0 $0x1;
	_ =	shalt  }
.Lfunc_end2:
_tile_overlayer_lowered:
.L_overlay_start_2:
0x11e: {  	(tag) =	ssettag $0x2  }
0x11f: {  	s0 =	rddreg [dreg:$0x0];
	s2 =	stileid.u32  }
0x120: {  	s1 =	rddreg [dreg:$0x1];
	p0 =	sne.s32 s2, $0x0  }
0x121: {  	s3 =	rddreg [dreg:$0x2];
	[bflag:$0x3] =	sbarrier.arrive $0xFFFF;
	s2 =	simm.s32 @!p0 $0x1C03  }
0x122: {  	[timem:s3], [sflag:s2] =	dma.local @!p0 [hbm:s0], s1  }
0x123: {  	s0 =	simm.s32 @!p0 $0x3  }
0x124: {  	_ =	swait.ge @!p0 [sflag:s0], s1  }
0x125: {  	s1 =	ssub.s32 @!p0 $0x0, s1;
	[sflag:s0] =	ssyncset.done @!p0 $0x0  }
0x126: {  	[sflag:s0] =	ssyncadd.s32 @!p0 s1  }
0x127: {  	[bflag:$0x3] =	sbarrier.arrive $0xFFFF  }
0x128: {  	_ =	shalt  }

// kernel: sparse-core-data-format-call.1.cloned.1.call-start
scs
called_computation.1_lowered:
.L_overlay_start_0:
0x0: {  	s2 =	sld [smem:$0x3FD9]  }
0x1: {  	s3 =	sld [smem:$0x3FFE];
	_ =	sdelay $0x1  }
0x2: {  	s1 =	srdreg.scid  }
0x3: {  	s0 =	sand.u32 $0x1, s1  }
0x4: {  	s18 =	sshll.u32 s0, $0xA;
	s2 =	sadd.s32 s3, s2  }
0x5: {  	s2 =	sadd.s32 s2, s18  }
0x6: {  	[smem:$0x3FC6] =	sst s2  }
0x7: {  	_ = 	snop  }
0x8: {  	s2 =	sld [smem:$0x3FD0];
	(tm) =	ssettm $0x1  }
0x9: {  	s19 =	sld [smem:$0x3FFB];
	_ =	sdelay $0x3  }
0xa: {  	_ =	strace s19  }
0xb: {  	s3 =	sld [smem:$0x3FFC];
	_ =	sdelay $0x3  }
0xc: {  	_ =	strace s3  }
0xd: {  	s3 =	sld [smem:$0x3FFD];
	_ =	sdelay $0x3  }
0xe: {  	_ =	strace s3  }
0xf: {  	_ =	strace $0x8FFFFFFF  }
0x10: {  	s20 =	sld [smem:$0x3FDB];
	_ =	sdelay $0x1  }
0x11: {  	s4 =	simm.s32 $_scs_section_size  }
0x12: {  	s5 =	simm.s32 $_size__tile_overlayer_lowered;
	s6 =	simm.s32 $_tile_overlayer_lowered  }
0x13: {  	s23 =	simm.s32 $0x1BFF;
	s22 =	sshll.u32 s6, $0x1;
	s3 =	sadd.s32 s4, s20  }
0x14: {  	s7 =	simm.s32 $0x0;
	s21 =	sshll.u32 s5, $0x1;
	s5 =	sadd.s32 s22, s3  }
0x15: {  	[timem:s7], [sflag:s23] =	dma.local [hbm:s5], s21  }
0x16: {  	_ =	swait.ge [sflag:s23], s21  }
0x17: {  	s4 =	ssub.s32 $0x0, s21;
	[sflag:s23] =	ssyncset.done $0x0  }
0x18: {  	[sflag:s23] =	ssyncadd.s32 s4;
	_ =	sdelay $0x1  }
0x19: {  	s24 =	simm.s32 $0x1B8B  }
0x1a: {  	_ =	swait.ge [sflag:s24], $0x1  }
0x1b: {  	[sflag:s24] =	ssyncset.done $0x0  }
0x1c: {  	s26 =	simm.s32 $0x1B8E;
	s25 =	sld [smem:$0x3FFE];
	[sflag:s24] =	ssyncadd.s32 $0xFFFFFFFF  }
0x1d: {  	s27 =	simm.s32 $execute0_lowered;
	[smem:$0x3FD2] =	sst s26  }
0x1e: {  	s5 =	sshll.u32 s27, $0x1;
	_ =	strace $0x80000046;
	[dreg:$0x1] =	wrdreg $0xFFFFFFFF  }
0x1f: {  	s28 =	simm.s32 $_size_execute0_lowered;
	s3 =	sadd.s32 s3, s5;
	[dreg:$0x0] =	wrdreg $0x0  }
0x20: {  	s5 =	sshll.u32 s28, $0x1;
	[dreg:$0x2] =	wrdreg s3  }
0x21: {  	[dreg:$0x3] =	wrdreg s5  }
0x22: {  	[dreg:$0x4] =	wrdreg $0xC0  }
0x23: {  	_ =	task [dreg:s7], $0x5FFFF  }
0x24: {  	[dreg:$0x1] =	wrdreg $0xFFFFFFFF  }
0x25: {  	[dreg:$0x0] =	wrdreg $0x60  }
0x26: {  	[dreg:$0x2] =	wrdreg s2  }
0x27: {  	[dreg:$0x3] =	wrdreg s25  }
0x28: {  	[dreg:$0x4] =	wrdreg $0x9  }
0x29: {  	_ =	task.clear_ibuf [dreg:s7], $0x5FFFF;
	_ =	strace $0x90000046  }
0x2a: {  	s29 =	simm.s32 $0x9;
	_ =	strace $0x80000048  }
0x2b: {  	_ =	swait.ge [sflag:s29], $0x1  }
0x2c: {  	[sflag:s29] =	ssyncadd.s32 $0xFFFFFFFF  }
0x2d: {  	_ =	strace $0x90000048  }
0x2e: {  	_ =	sfence  }
0x2f: {  	s30 =	sld [smem:$0x0];
	_ =	sdelay $0x2  }
0x30: {  	s31 =	sshll.u32 s1, $0xD;
	s1 =	sshrl.u32 s1, $0x2  }
0x31: {  	s3 =	sand.u32 $0x4000, s31;
	s1 =	sadd.s32 s1, s30  }
0x32: {  	s0 =	sor.u32 s3, s0;
	s1 =	sshll.u32 s1, $0x11  }
0x33: {  	s0 =	sor.u32 s1, s0  }
0x34: {  	s0 =	sadd.s32 $0x8F2B, s0  }
0x35: {  	[sflag:s0] =	ssyncadd.remote.s32 $0x1  }
0x36: {  	_ =	sfence.sel $0xFFFF  }
0x37: {  	[dreg:$0x0] =	wrdreg $0xFFFFFFFF;
	(pc) =	sbr.abs _section_cstart, $3  }
0x38: {  	[dreg:$0x1] =	wrdreg $0xFFFFFFFF  }
0x39: {  	_ =	task.clear_ibuf [dreg:s7], $0x2FFFF;
	_ =	strace $0x9FFFFFFF  }
0x3a: {  	(tm) =	ssettm $0x7FFFFFFF  }
0x3b: {  	_ =	shalt  }
tec
execute0_lowered:
.L_overlay_start_1:
0x0: {  	(tag) =	ssettag $0x1  }
0x1: {  	s0 =	stileid.u32;
	s2 =	rddreg [dreg:$0x0]  }
0x2: {  	s1 =	srdreg.scid;
	s4 =	rddreg [dreg:$0x1];
	s8 =	simm.s32 $0x1  }
0x3: {  	s9 =	simm.s32 $0x2;
	s16 =	simm.s32 $0x0;
	s10 =	simm.s32 $0x0  }
0x4: {  	s15 =	simm.s32 $0x0;
	s3 =	sshll.u32 s0, $0x6;
	s1 =	sshll.u32 s1, $0xA  }
0x5: {  	s17 =	simm.s32 $0x0;
	s12 =	simm.s32 $0x0;
	s3 =	sor.u32 s3, s1  }
0x6: {  	s14 =	simm.s32 $0x0;
	s4 =	sadd.s32 $0xC00, s4;
	s3 =	sand.u32 $0x700, s3  }
0x7: {  	s5 =	sshll.u32 s0, $0x3;
	s1 =	rddreg [dreg:$0x2];
	s7 =	ssub.s32 $0x9A00, s3  }
.Ltmp0:
0x8: {  	s5 =	sand.u32 $0x18, s5;
	s6 =	sand.u32 $0x700, s7;
	(pc) =	sbr.rel .LBB1_1-.Ltmp0, $4  }
0x9: {  	_ =	strace $0x80000047;
	s13 =	smov.u32 s5;
	p0 =	sne.s32 s6, $0x0  }
0xa: {  	s7 =	sshrl.u32 s7, $0xB;
	s6 =	simm.s32 $0x1;
	s8 =	simm.s32 @!p0 $0x0  }
0xb: {  	s11 =	smov.u32 s3;
	[sflag:s6] =	ssyncpa.u1 $0x0;
	s7 =	sadd.s32 s8, s7  }
0xc: {  	[sflag:s9] =	ssyncpa.u1 $0x0;
	s9 =	simm.s32 $0x134000;
	s8 =	sadd.s32 $0x1, s7  }
.LBB1_7:
0xd: {  	s18 =	sadd.s32 $0x800, s11  }
0xe: {  	s15 =	sadd.s32 $0x8, s12;
	s19 =	smov.u32 s12;
	p1 =	sgt.s32 s18, $0x99FF  }
0xf: {  	s19 =	smov.u32 @p1 s15  }
0x10: {  	s21 =	smov.u32 s13;
	s15 =	sadd.s32 $0x20, s13;
	p2 =	sgt.s32 s19, $0x7  }
0x11: {  	s21 =	smov.u32 @p2 s15  }
0x12: {  	s18 =	smov.u32 @p1 s3;
	p1 =	sgt.s32 s21, $0x1A  }
0x13: {  	p0 =	slt.u32 s14, $0x2;
	s21 =	smov.u32 @p1 s5;
	p1 =	sne.s32 s14, s8  }
.Ltmp1:
0x14: {  	s20 =	simm.s32 @!p0 $0x2;
	(pc) =	sbr.rel @!p1 .LBB1_8-.Ltmp1, $4  }
0x15: {  	s16 =	smov.u32 s11;
	s17 =	smov.u32 s13;
	_ =	swait.ge @!p0 [sflag:s20], $0x4000  }
0x16: {  	s10 =	sadd.s32 $0x4000, s10;
	[sflag:s20] =	ssyncset.done @!p0 $0x0;
	s11 =	smov.u32 s18  }
0x17: {  	s19 =	simm.s32 @p2 $0x0;
	s15 =	smov.u32 s12;
	[sflag:s20] =	ssyncadd.s32 @!p0 $0xFFFFC000  }
0x18: {  	s12 =	smov.u32 s19;
	s14 =	sadd.s32 $0x1, s14;
	s13 =	smov.u32 s21  }
.LBB1_1:
0x19: {  	p0 =	sge.u32 s14, s7;
	s22 =	smov.u32 s11  }
0x1a: {  	s18 =	sshrl.u32 @!p0 s12, $0x3;
	s19 =	sshll.u32 @!p0 s11, $0x3;
	s20 =	sshll.u32 @!p0 s12, $0x7  }
0x1b: {  	p1 =	sgt.s32 @!p0 s13, $0x13;
	s21 =	sshra.s32 @!p0 s13, $0x1F;
	s18 =	smul.u32 @!p0 $0x4D000, s18  }
0x1c: {  	s23 =	sshra.s32 @!p0 s11, $0x1F;
	s19 =	sand.u32 @!p0 $0xFFFFFC00, s19;
	p1 =	por !p1, p0  }
0x1d: {  	s21 =	sand.u32 @!p0 s21, s13;
	s18 =	sadd.s32 @!p0 s18, s19;
	s19 =	sand.u32 @!p0 $0x380, s20  }
0x1e: {  	s20 =	sand.u32 @!p0 $0x7F, s11;
	s18 =	sor.u32 @!p0 s19, s18;
	s19 =	smov.u32 s13  }
0x1f: {  	s19 =	simm.s32 @p1 $0x13;
	p1 =	sgt.s32 @!p0 s11, $0x9900;
	s20 =	sor.u32 @!p0 s20, s18  }
0x20: {  	p1 =	por !p1, p0;
	s19 =	ssub.s32 @!p0 s19, s21;
	s21 =	sand.u32 @!p0 s23, s11  }
0x21: {  	s22 =	simm.s32 @p1 $0x9900;
	s23 =	sadd.s32 @!p0 $0xFFFFFFED, s19;
	s19 =	ssub.s32 @!p0 $0x1B, s19  }
0x22: {  	s21 =	ssub.s32 @!p0 s22, s21;
	p1 =	sgt.s32 @!p0 s23, $0x7;
	s22 =	ssub.s32 @!p0 $0x0, s12  }
0x23: {  	s23 =	sadd.s32 @!p0 $0xFFFF6700, s21;
	s22 =	smin.u32 @!p0 s12, s22;
	p1 =	por !p1, p0  }
0x24: {  	p2 =	sgt.s32 @!p0 s23, $0xFF;
	s23 =	smulhi.u32 @!p0 $0x3531DEC1, s20;
	p3 =	sgt.s32 @!p0 s22, $0x7  }
0x25: {  	s19 =	simm.s32 @!p1 $0x0;
	s22 =	ssub.s32 @!p0 $0x8, s22;
	p1 =	por !p3, p0  }
0x26: {  	s18 =	smulhi.u32 @!p0 $0x3531DEC1, s18;
	s21 =	ssub.s32 @!p0 $0x9A00, s21;
	s22 =	simm.s32 @!p1 $0x0  }
0x27: {  	s23 =	sshrl.u32 @!p0 s23, $0xD;
	p1 =	por !p2, p0;
	s19 =	smul.u32 @!p0 s22, s19  }
0x28: {  	s31 =	sadd.s32 $0xFFFFFFFF, s14;
	s22 =	smul.u32 @!p0 $0x9A00, s23;
	s21 =	simm.s32 @!p1 $0x0  }
0x29: {  	s18 =	sshrl.u32 @!p0 s18, $0xD;
	s23 =	sxor.u32 @!p0 $0xFFFFFFFF, s14;
	s19 =	smul.u32 @!p0 s21, s19  }
0x2a: {  	s18 =	sand.u32 @!p0 $0x7, s18;
	s21 =	sshll.u32 @!p0 s23, $0xE;
	s23 =	smul.u32 @!p0 $0x9A00, s13  }
0x2b: {  	s18 =	smul.u32 @!p0 $0x1340, s18;
	s20 =	ssub.s32 @!p0 s20, s22;
	s21 =	sand.u32 @!p0 $0x4000, s21  }
0x2c: {  	s19 =	sand.u32 @!p0 $0x3FFFFFFF, s19;
	s22 =	sadd.s32 @!p0 s2, s23;
	s23 =	sand.u32 @!p0 $0x7, s20  }
0x2d: {  	s20 =	sshrl.u32 @!p0 s20, $0x3;
	s18 =	sadd.s32 @!p0 s18, s22;
	s22 =	sshll.u32 @!p0 s23, $0x12  }
0x2e: {  	s18 =	sadd.s32 @!p0 s20, s18;
	s20 =	sor.u32 @!p0 $0x800, s22;
	s22 =	simm.s32 @!p0 $0x4D000  }
0x2f: {  	[tilespmem:s21], [sflag:$0x1] =	stream.strided.gather @!p0 [hbm4b:s18+s20], s19, s22, s20, $0x38;
	[tilespmem:$0x10000] =	vst v63  }
0x30: {  	p0 =	sge.u32 s31, s7  }
.Ltmp2:
0x31: {  	_ = 	snop;
	(pc) =	sbr.rel @p0 .LBB1_7-.Ltmp2, $1  }
0x32: {  	_ =	sdelay $0x3  }
0x33: {  	p0 =	sgt.s32 s17, $0x13  }
0x34: {  	s18 =	smov.u32 s17;
	s19 =	sshra.s32 s17, $0x1F;
	s28 =	ssub.s32 $0x0, s15  }
0x35: {  	p1 =	sgt.s32 s16, $0x9900;
	s18 =	simm.s32 @!p0 $0x13;
	s19 =	sand.u32 s19, s17  }
0x36: {  	s20 =	smov.u32 s16;
	s21 =	sshra.s32 s16, $0x1F;
	s18 =	ssub.s32 s18, s19  }
0x37: {  	s20 =	simm.s32 @!p1 $0x9900;
	s21 =	sand.u32 s21, s16;
	s19 =	sadd.s32 $0xFFFFFFED, s18  }
0x38: {  	s20 =	ssub.s32 s20, s21;
	p0 =	sgt.s32 s19, $0x7;
	s19 =	smin.u32 s15, s28  }
0x39: {  	s18 =	ssub.s32 $0x1B, s18;
	p1 =	sgt.s32 s19, $0x7;
	s19 =	ssub.s32 $0x8, s19  }
0x3a: {  	s21 =	sadd.s32 $0xFFFF6700, s20;
	s18 =	simm.s32 @p0 $0x0;
	s19 =	simm.s32 @p1 $0x0  }
0x3b: {  	p0 =	sgt.s32 s21, $0xFF;
	s18 =	smul.u32 s19, s18;
	s19 =	ssub.s32 $0x9A00, s20  }
0x3c: {  	s29 =	sshll.u32 s10, $0x2;
	s19 =	simm.s32 @p0 $0x0  }
0x3d: {  	s31 =	sshll.u32 s14, $0xE;
	s23 =	simm.s32 $0x0;
	s18 =	smul.u32 s19, s18  }
0x3e: {  	s24 =	simm.s32 $0x0;
	s25 =	simm.s32 $0x0;
	s30 =	sand.u32 $0x10000, s29  }
0x3f: {  	s22 =	sshrl.u32 s30, $0x2;
	s21 =	sand.u32 $0x4000, s31;
	s18 =	sand.u32 $0x3FFFFFFF, s18  }
0x40: {  	s20 =	sor.u32 $0x8410, s22;
	p0 =	por $0x0, $0x0;
	_ =	swait.ge [sflag:s6], s18  }
0x41: {  	s19 =	sor.u32 $0x40, s22;
	s18 =	ssub.s32 $0x0, s18;
	[sflag:s6] =	ssyncset.done $0x0  }
0x42: {  	s22 =	sadd.s32 $0x8400, s22;
	[sflag:s6] =	ssyncadd.s32 s18;
	s18 =	sor.u32 $0x8000, s21  }
.LBB1_3:
0x43: {  	v1 =	vld [tilespmem:s19+$0xFFFFFFD0]  }
0x44: {  	v2 =	vld [tilespmem:s19+$0x430]  }
0x45: {  	s26 =	sshll.u32 s25, $0xB;
	v4 =	vld [tilespmem:s19+$0xFFFFFFE0]  }
0x46: {  	v7 =	vld [tilespmem:s19+$0xFFFFFFF0];
	v0 =	vmov s26  }
0x47: {  	v8 =	vld [tilespmem:s19+$0x0]  }
0x48: {  	v9 =	vld [tilespmem:s19+$0x10];
	s26 =	sand.u32 $0x300, s23  }
0x49: {  	s27 =	sand.u32 $0x80, s23;
	v10 =	vld [tilespmem:s19+$0x20];
	s26 =	sadd.s32 s26, s21  }
0x4a: {  	v11 =	vld [tilespmem:s19+$0x30];
	s26 =	sadd.s32 s27, s26;
	s27 =	simm.s32 $0x1;
	[tilespmem:s20+$0x60] =	vst v2  }
0x4b: {  	s27 =	simm.s32 @!p0 $0x0;
	[tilespmem:s20+$0xFFFFFC00] =	vst v1;
	v3 =	vld.idx.msk [tilespmem:v0+s26+$0x400 ss:$0x1], $0xffff;
	s26 =	sshll.u32 s24, $0x2  }
0x4c: {  	v6 =	vld [tilespmem:s19+$0x3D0];
	s27 =	sshll.u32 s27, $0x9;
	[tilespmem:s20+$0xFFFFFC10] =	vst v4;
	s26 =	sand.u32 $0xFFFFFC00, s26  }
0x4d: {  	v5 =	vld [tilespmem:s19+$0x3E0];
	[tilespmem:s20+$0xFFFFFC20] =	vst v7;
	s26 =	sor.u32 s27, s26  }
0x4e: {  	[tilespmem:s20+$0xFFFFFC30] =	vst v8;
	v4 =	vld [tilespmem:s19+$0x400];
	s26 =	sshrl.u32 s26, $0x2  }
0x4f: {  	[tilespmem:s20+$0xFFFFFC40] =	vst v9;
	v1 =	vld [tilespmem:s19+$0x410];
	s26 =	sadd.s32 s26, s22  }
0x50: {  	[tilespmem:s26+$0x0] =	vst v3;
	v3 =	vld [tilespmem:s19+$0x3F0]  }
0x51: {  	s30 =	simm.s32 $0x80;
	s29 =	simm.s32 $0x100;
	[tilespmem:s20+$0xFFFFFC50] =	vst v10;
	v2 =	vld [tilespmem:s19+$0x420]  }
0x52: {  	s28 =	smov.u32 s20;
	s31 =	sand.u32 $0x300, s30;
	v7 =	vld [tilespmem:s19+$0xFFFFFFC0];
	[tilespmem:s20+$0xFFFFFC60] =	vst v11;
	s27 =	sadd.s32 $0x80, s19  }
.LBB1_4:
0x53: {  	p1 =	sne.s32 s29, $0x380;
	v8 =	vld [tilespmem:s27+$0xFFFFFFD0];
	s30 =	sand.u32 $0x80, s30;
	s31 =	sadd.s32 s31, s21;
	[tilespmem:s28+$0x0] =	vst v6  }
0x54: {  	s31 =	sadd.s32 s30, s31;
	v6 =	vld [tilespmem:s27+$0x430];
	[tilespmem:s28+$0x10] =	vst v5;
	s30 =	smov.u32 s29  }
0x55: {  	v5 =	vld.idx.msk [tilespmem:v0+s31+$0x400 ss:$0x1], $0xffff;
	[tilespmem:s28+$0x20] =	vst v3  }
0x56: {  	v3 =	vld [tilespmem:s27+$0xFFFFFFE0];
	[tilespmem:s28+$0x30] =	vst v4  }
0x57: {  	v4 =	vld [tilespmem:s27+$0xFFFFFFF0];
	[tilespmem:s28+$0xFFFFFBF0] =	vst v7  }
0x58: {  	v7 =	vld [tilespmem:s27+$0x0];
	[tilespmem:s28+$0x40] =	vst v1  }
0x59: {  	v1 =	vld [tilespmem:s27+$0x10];
	[tilespmem:s28+$0x50] =	vst v2;
	s28 =	sadd.s32 $0x800, s28  }
0x5a: {  	s26 =	sadd.s32 $0x800, s26;
	v2 =	vld [tilespmem:s27+$0x20];
	[tilespmem:s28+$0x60] =	vst v6  }
0x5b: {  	v9 =	vld [tilespmem:s27+$0x30];
	[tilespmem:s26+$0x0] =	vst v5  }
0x5c: {  	[tilespmem:s28+$0xFFFFFC00] =	vst v8;
	v6 =	vld [tilespmem:s27+$0x3D0]  }
0x5d: {  	[tilespmem:s28+$0xFFFFFC10] =	vst v3;
	v5 =	vld [tilespmem:s27+$0x3E0]  }
.Ltmp3:
0x5e: {  	[tilespmem:s28+$0xFFFFFC20] =	vst v4;
	v3 =	vld [tilespmem:s27+$0x3F0];
	(pc) =	sbr.rel @p1 .LBB1_4-.Ltmp3, $4  }
0x5f: {  	[tilespmem:s28+$0xFFFFFC30] =	vst v7;
	v4 =	vld [tilespmem:s27+$0x400]  }
0x60: {  	[tilespmem:s28+$0xFFFFFC40] =	vst v1;
	v1 =	vld [tilespmem:s27+$0x410]  }
0x61: {  	[tilespmem:s28+$0xFFFFFC50] =	vst v2;
	v2 =	vld [tilespmem:s27+$0x420]  }
0x62: {  	s29 =	sadd.s32 $0x80, s29;
	s31 =	sand.u32 $0x300, s30;
	v7 =	vld [tilespmem:s27+$0xFFFFFFC0];
	[tilespmem:s28+$0xFFFFFC60] =	vst v9;
	s27 =	sadd.s32 $0x80, s27  }
0x63: {  	[tilespmem:s28+$0x0] =	vst v6  }
0x64: {  	[tilespmem:s28+$0x10] =	vst v5  }
0x65: {  	v49 =	vld [tilespmem:s27+$0x430];
	[tilespmem:s28+$0x20] =	vst v3  }
0x66: {  	v50 =	vld [tilespmem:s27+$0xFFFFFFD0];
	[tilespmem:s28+$0x30] =	vst v4  }
0x67: {  	v51 =	vld [tilespmem:s27+$0xFFFFFFE0];
	[tilespmem:s28+$0x40] =	vst v1  }
0x68: {  	s29 =	sand.u32 $0x80, s30;
	s31 =	sadd.s32 s31, s21;
	v52 =	vld [tilespmem:s27+$0xFFFFFFF0];
	[tilespmem:s28+$0x50] =	vst v2  }
0x69: {  	v53 =	vld [tilespmem:s27+$0x0];
	s29 =	sadd.s32 s29, s31;
	s31 =	sadd.s32 $0x800, s28;
	[tilespmem:s28+$0xFFFFFBF0] =	vst v7  }
0x6a: {  	v54 =	vld [tilespmem:s27+$0x10];
	[tilespmem:s31+$0x60] =	vst v49  }
0x6b: {  	v55 =	vld [tilespmem:s27+$0x20];
	[tilespmem:s31+$0xFFFFFC00] =	vst v50  }
0x6c: {  	v56 =	vld [tilespmem:s27+$0x30];
	[tilespmem:s31+$0xFFFFFC10] =	vst v51  }
0x6d: {  	v57 =	vld [tilespmem:s27+$0x3D0];
	[tilespmem:s31+$0xFFFFFC20] =	vst v52  }
0x6e: {  	v58 =	vld [tilespmem:s27+$0x3E0];
	[tilespmem:s31+$0xFFFFFC30] =	vst v53  }
0x6f: {  	v59 =	vld [tilespmem:s27+$0x3F0];
	[tilespmem:s31+$0xFFFFFC40] =	vst v54  }
0x70: {  	v60 =	vld [tilespmem:s27+$0x400];
	[tilespmem:s31+$0xFFFFFC50] =	vst v55  }
0x71: {  	v61 =	vld [tilespmem:s27+$0xFFFFFFC0];
	[tilespmem:s31+$0xFFFFFC60] =	vst v56  }
0x72: {  	v62 =	vld [tilespmem:s27+$0x410];
	[tilespmem:s31+$0x0] =	vst v57  }
0x73: {  	v63 =	vld [tilespmem:s27+$0x420];
	s25 =	sadd.s32 $0x1, s25;
	[tilespmem:s31+$0x10] =	vst v58  }
0x74: {  	p1 =	sne.s32 s25, $0x8;
	v0 =	vld.idx.msk [tilespmem:v0+s29+$0x400 ss:$0x1], $0xffff;
	[tilespmem:s31+$0x20] =	vst v59  }
.Ltmp4:
0x75: {  	[tilespmem:s31+$0x30] =	vst v60;
	(pc) =	sbr.rel @p1 .LBB1_3-.Ltmp4, $4  }
0x76: {  	[tilespmem:s31+$0xFFFFFBF0] =	vst v61  }
0x77: {  	[tilespmem:s31+$0x40] =	vst v62  }
0x78: {  	s26 =	sadd.s32 $0x800, s26;
	s19 =	sadd.s32 $0x800, s19;
	[tilespmem:s31+$0x50] =	vst v63  }
0x79: {  	s24 =	sadd.s32 $0x80, s24;
	p0 =	por !p0, !p0;
	s20 =	sadd.s32 $0x80, s20;
	[tilespmem:s26+$0x0] =	vst v0  }
0x7a: {  	s19 =	sshrl.u32 s17, $0x3  }
0x7b: {  	s20 =	sshll.u32 s16, $0x3;
	s19 =	smul.u32 $0x4D000, s19  }
0x7c: {  	s27 =	sshll.u32 s17, $0x7;
	s20 =	sand.u32 $0xFFFFFC00, s20  }
0x7d: {  	s17 =	sand.u32 $0x380, s27;
	s19 =	sadd.s32 s19, s20  }
0x7e: {  	s28 =	sand.u32 $0x7F, s16;
	s17 =	sor.u32 s17, s19  }
0x7f: {  	s16 =	sor.u32 s28, s17;
	s17 =	smulhi.u32 $0x3531DEC1, s17  }
0x80: {  	s29 =	smulhi.u32 $0x3531DEC1, s16;
	_ =	sdelay $0x1  }
0x81: {  	s15 =	smul.u32 $0x26800, s15;
	s17 =	sshrl.u32 s17, $0xD;
	s19 =	sshrl.u32 s29, $0xD  }
0x82: {  	s17 =	sand.u32 $0x1F, s17;
	s19 =	smul.u32 $0x9A00, s19  }
0x83: {  	s17 =	smul.u32 $0x1340, s17  }
.Ltmp5:
0x84: {  	s16 =	ssub.s32 s16, s19;
	(pc) =	sbr.rel .LBB1_7-.Ltmp5, $4  }
0x85: {  	s15 =	sadd.s32 s4, s15;
	s19 =	sand.u32 $0x7, s16  }
0x86: {  	s15 =	sadd.s32 s17, s15;
	s16 =	sshrl.u32 s16, $0x3;
	s30 =	sshll.u32 s19, $0x12  }
0x87: {  	s15 =	sadd.s32 s16, s15;
	s31 =	sor.u32 $0x800, s30  }
0x88: {  	[hbm4b:s15+s31] =	stream.strided.scatter [tilespmem:s18], [sflag:$0x2], $0x4000, s9, s31, $0x38;
	[tilespmem:$0x10000] =	vst v63  }
.LBB1_8:
0x89: {  	_ =	sfence.sel $0x180000  }
0x8a: {  	s2 =	simm.s32 $0x1;
	[bflag:$0x0] =	sbarrier.arrive $0xFFFF  }
0x8b: {  	s31 =	simm.s32 $0x2;
	[sflag:s2] =	ssyncpa.u1 $0x1  }
0x8c: {  	[sflag:s31] =	ssyncpa.u1 $0x1  }
0x8d: {  	p0 =	sne.s32 s0, $0x0;
	_ =	strace $0x90000047  }
0x8e: {  	s0 =	sadd.s32 @!p0 $0x100000, s1;
	[bflag:$0x2] =	sbarrier.arrive $0xFFFF  }
0x8f: {  	[sflag:s0] =	ssyncadd.tile.s32 @!p0 $0x1;
	_ =	shalt  }
.Lfunc_end1:
_tile_overlayer_lowered:
.L_overlay_start_2:
0x90: {  	(tag) =	ssettag $0x2  }
0x91: {  	s0 =	rddreg [dreg:$0x0];
	s2 =	stileid.u32  }
0x92: {  	s1 =	rddreg [dreg:$0x1];
	p0 =	sne.s32 s2, $0x0  }
0x93: {  	s3 =	rddreg [dreg:$0x2];
	[bflag:$0x3] =	sbarrier.arrive $0xFFFF;
	s2 =	simm.s32 @!p0 $0x1C01  }
0x94: {  	[timem:s3], [sflag:s2] =	dma.local @!p0 [hbm:s0], s1  }
0x95: {  	s0 =	simm.s32 @!p0 $0x1  }
0x96: {  	_ =	swait.ge @!p0 [sflag:s0], s1  }
0x97: {  	s1 =	ssub.s32 @!p0 $0x0, s1;
	[sflag:s0] =	ssyncset.done @!p0 $0x0  }
0x98: {  	[sflag:s0] =	ssyncadd.s32 @!p0 s1  }
0x99: {  	[bflag:$0x3] =	sbarrier.arrive $0xFFFF  }
0x9a: {  	_ =	shalt  }

// kernel: sparse-core-data-format-call.cloned.1.call-start
scs
called_computation_lowered:
.L_overlay_start_0:
0x0: {  	s2 =	sld [smem:$0x3FD9]  }
0x1: {  	s3 =	sld [smem:$0x3FFE];
	_ =	sdelay $0x1  }
0x2: {  	s1 =	srdreg.scid  }
0x3: {  	s0 =	sand.u32 $0x1, s1  }
0x4: {  	s18 =	sshll.u32 s0, $0xA;
	s2 =	sadd.s32 s3, s2  }
0x5: {  	s2 =	sadd.s32 s2, s18  }
0x6: {  	[smem:$0x3FC6] =	sst s2  }
0x7: {  	_ = 	snop  }
0x8: {  	s2 =	sld [smem:$0x3FD0];
	(tm) =	ssettm $0x1  }
0x9: {  	s19 =	sld [smem:$0x3FFB];
	_ =	sdelay $0x3  }
0xa: {  	_ =	strace s19  }
0xb: {  	s3 =	sld [smem:$0x3FFC];
	_ =	sdelay $0x3  }
0xc: {  	_ =	strace s3  }
0xd: {  	s3 =	sld [smem:$0x3FFD];
	_ =	sdelay $0x3  }
0xe: {  	_ =	strace s3  }
0xf: {  	_ =	strace $0x8FFFFFFF  }
0x10: {  	s20 =	sld [smem:$0x3FDB];
	_ =	sdelay $0x1  }
0x11: {  	s4 =	simm.s32 $_scs_section_size  }
0x12: {  	s5 =	simm.s32 $_size__tile_overlayer_lowered;
	s6 =	simm.s32 $_tile_overlayer_lowered  }
0x13: {  	s23 =	simm.s32 $0x1BFF;
	s22 =	sshll.u32 s6, $0x1;
	s3 =	sadd.s32 s4, s20  }
0x14: {  	s7 =	simm.s32 $0x0;
	s21 =	sshll.u32 s5, $0x1;
	s5 =	sadd.s32 s22, s3  }
0x15: {  	[timem:s7], [sflag:s23] =	dma.local [hbm:s5], s21  }
0x16: {  	_ =	swait.ge [sflag:s23], s21  }
0x17: {  	s4 =	ssub.s32 $0x0, s21;
	[sflag:s23] =	ssyncset.done $0x0  }
0x18: {  	[sflag:s23] =	ssyncadd.s32 s4;
	_ =	sdelay $0x1  }
0x19: {  	s24 =	simm.s32 $0x1B8B  }
0x1a: {  	_ =	swait.ge [sflag:s24], $0x1  }
0x1b: {  	[sflag:s24] =	ssyncset.done $0x0  }
0x1c: {  	s26 =	simm.s32 $0x1B8E;
	s25 =	sld [smem:$0x3FFE];
	[sflag:s24] =	ssyncadd.s32 $0xFFFFFFFF  }
0x1d: {  	s27 =	simm.s32 $execute0_lowered;
	[smem:$0x3FD2] =	sst s26  }
0x1e: {  	s5 =	sshll.u32 s27, $0x1;
	_ =	strace $0x8000004C;
	[dreg:$0x1] =	wrdreg $0xFFFFFFFF  }
0x1f: {  	s28 =	simm.s32 $_size_execute0_lowered;
	s3 =	sadd.s32 s3, s5;
	[dreg:$0x0] =	wrdreg $0x0  }
0x20: {  	s5 =	sshll.u32 s28, $0x1;
	[dreg:$0x2] =	wrdreg s3  }
0x21: {  	[dreg:$0x3] =	wrdreg s5  }
0x22: {  	[dreg:$0x4] =	wrdreg $0xC0  }
0x23: {  	_ =	task [dreg:s7], $0x5FFFF  }
0x24: {  	[dreg:$0x1] =	wrdreg $0xFFFFFFFF  }
0x25: {  	[dreg:$0x0] =	wrdreg $0x60  }
0x26: {  	[dreg:$0x2] =	wrdreg s25  }
0x27: {  	[dreg:$0x3] =	wrdreg s2  }
0x28: {  	[dreg:$0x4] =	wrdreg $0x9  }
0x29: {  	_ =	task.clear_ibuf [dreg:s7], $0x5FFFF;
	_ =	strace $0x9000004C  }
0x2a: {  	s29 =	simm.s32 $0x9;
	_ =	strace $0x8000004E  }
0x2b: {  	_ =	swait.ge [sflag:s29], $0x1  }
0x2c: {  	[sflag:s29] =	ssyncadd.s32 $0xFFFFFFFF  }
0x2d: {  	_ =	strace $0x9000004E  }
0x2e: {  	_ =	sfence  }
0x2f: {  	s30 =	sld [smem:$0x0];
	_ =	sdelay $0x2  }
0x30: {  	s31 =	sshll.u32 s1, $0xD;
	s1 =	sshrl.u32 s1, $0x2  }
0x31: {  	s3 =	sand.u32 $0x4000, s31;
	s1 =	sadd.s32 s1, s30  }
0x32: {  	s0 =	sor.u32 s3, s0;
	s1 =	sshll.u32 s1, $0x11  }
0x33: {  	s0 =	sor.u32 s1, s0  }
0x34: {  	s0 =	sadd.s32 $0x8F2B, s0  }
0x35: {  	[sflag:s0] =	ssyncadd.remote.s32 $0x1  }
0x36: {  	_ =	sfence.sel $0xFFFF  }
0x37: {  	[dreg:$0x0] =	wrdreg $0xFFFFFFFF;
	(pc) =	sbr.abs _section_cstart, $3  }
0x38: {  	[dreg:$0x1] =	wrdreg $0xFFFFFFFF  }
0x39: {  	_ =	task.clear_ibuf [dreg:s7], $0x2FFFF;
	_ =	strace $0x9FFFFFFF  }
0x3a: {  	(tm) =	ssettm $0x7FFFFFFF  }
0x3b: {  	_ =	shalt  }
tec
execute0_lowered:
.L_overlay_start_1:
0x0: {  	(tag) =	ssettag $0x1  }
0x1: {  	s0 =	srdreg.scid  }
0x2: {  	s1 =	sshll.u32 s0, $0x4  }
0x3: {  	s6 =	rddreg [dreg:$0x0];
	s0 =	stileid.u32;
	s1 =	sand.u32 $0x10, s1  }
0x4: {  	s3 =	rddreg [dreg:$0x1];
	s1 =	sor.u32 s0, s1  }
0x5: {  	s5 =	simm.s32 $0x1;
	s31 =	simm.s32 $0x2;
	s2 =	sshll.u32 s1, $0x7  }
0x6: {  	s15 =	simm.s32 $0x0;
	s8 =	simm.s32 $0x8000;
	s4 =	ssub.s32 $0x1000, s2  }
0x7: {  	s13 =	simm.s32 $0x0;
	s14 =	simm.s32 $0x0;
	s30 =	sand.u32 $0xF80, s4  }
0x8: {  	s9 =	simm.s32 $0x0;
	s11 =	simm.s32 $0x0;
	p0 =	sne.s32 s30, $0x0  }
.Ltmp0:
0x9: {  	s7 =	sshrl.u32 s4, $0xC;
	s5 =	simm.s32 @!p0 $0x0;
	(pc) =	sbr.rel .LBB1_1-.Ltmp0, $4  }
0xa: {  	s12 =	simm.s32 $0x0;
	s1 =	rddreg [dreg:$0x2];
	s5 =	sadd.s32 s5, s7  }
0xb: {  	_ =	strace $0x8000004D;
	s4 =	simm.s32 $0x1;
	s5 =	smul.u32 $0x9A0, s5  }
0xc: {  	s6 =	sadd.s32 $0xC00, s6;
	s10 =	smov.u32 s2;
	[sflag:s4] =	ssyncpa.u1 $0x0  }
0xd: {  	[sflag:s31] =	ssyncpa.u1 $0x0;
	p0 =	por $0x0, $0x0;
	s7 =	sor.u32 $0x1, s5  }
.LBB1_4:
0xe: {  	v5 =	vld [tilespmem:s18+$0xFFFFFFD0]  }
0xf: {  	[tilespmem:s19+$0x2040 ss:$0x81] =	vst.msk $0xffff, v1;
	v58 =	vld [tilespmem:s18+$0xFFFFFFE0]  }
0x10: {  	[tilespmem:s19+$0x2850 ss:$0x81] =	vst.msk $0xffff, v2;
	v59 =	vld [tilespmem:s18+$0xFFFFFFF0]  }
0x11: {  	s20 =	sshra.s32 s20, $0x2;
	[tilespmem:s19+$0x3060 ss:$0x81] =	vst.msk $0xffff, v3;
	v60 =	vld [tilespmem:s18+$0x0]  }
0x12: {  	[tilespmem:s19+$0x0 ss:$0x81] =	vst.msk $0xffff, v0;
	v61 =	vld [tilespmem:s18+$0x10];
	s17 =	sadd.s32 s20, s17  }
0x13: {  	s26 =	sshll.u32 s15, $0xC;
	v62 =	vld [tilespmem:s18+$0x20];
	[tilespmem:s17+$0x3870 ss:$0x81] =	vst.msk $0xffff, v4  }
0x14: {  	s27 =	sand.u32 $0x78, s13;
	s21 =	sshll.u32 s13, $0x3;
	v63 =	vld [tilespmem:s18+$0xFFFFFFC0];
	s29 =	sshll.u32 s15, $0x7;
	[tilespmem:s17+$0x810 ss:$0x81] =	vst.msk $0xffff, v5  }
0x15: {  	s14 =	sshll.u32 s14, $0x15;
	s19 =	sand.u32 $0xFF8000, s26;
	s28 =	sand.u32 $0xFFFC00, s21;
	[tilespmem:s17+$0x1020 ss:$0x81] =	vst.msk $0xffff, v58  }
0x16: {  	s31 =	sand.u32 $0x7, s13;
	s21 =	sand.u32 $0xC00, s21;
	s18 =	sadd.s32 s28, s19;
	[tilespmem:s17+$0x1830 ss:$0x81] =	vst.msk $0xffff, v59  }
0x17: {  	s15 =	sand.u32 $0x380, s29;
	s30 =	sor.u32 s27, s21;
	s18 =	sshrl.u32 s18, $0x3;
	[tilespmem:s17+$0x2040 ss:$0x81] =	vst.msk $0xffff, v60  }
0x18: {  	s14 =	sadd.s32 s3, s14;
	s15 =	sor.u32 s15, s30;
	s18 =	sand.u32 $0x1FFE00, s18;
	[tilespmem:s17+$0x2850 ss:$0x81] =	vst.msk $0xffff, v61  }
0x19: {  	s13 =	sshll.u32 s31, $0x12;
	s15 =	sshrl.u32 s15, $0x3;
	[tilespmem:s17+$0x3060 ss:$0x81] =	vst.msk $0xffff, v62;
	s14 =	sadd.s32 s18, s14  }
0x1a: {  	s13 =	sor.u32 $0x400, s13;
	[tilespmem:s17+$0x0 ss:$0x81] =	vst.msk $0xffff, v63;
	s14 =	sadd.s32 s15, s14  }
0x1b: {  	[hbm4b:s14+s13] =	stream.strided.scatter [tilespmem:s16], [sflag:$0x2], $0x4000, s8, s13, $0x20;
	[tilespmem:$0x10100] =	vst v63  }
.LBB1_5:
0x1c: {  	s16 =	sadd.s32 $0x80, s9  }
0x1d: {  	s13 =	sadd.s32 $0x1000, s10;
	s17 =	smov.u32 s10;
	p2 =	sgt.s32 s16, $0xFFF  }
0x1e: {  	s17 =	smov.u32 @p2 s13  }
0x1f: {  	s13 =	simm.s32 $0x1;
	p3 =	sgt.s32 s17, $0xFFF  }
0x20: {  	s13 =	simm.s32 @!p3 $0x0  }
0x21: {  	s19 =	sadd.s32 s13, s11  }
0x22: {  	s16 =	simm.s32 @p2 $0x0;
	p2 =	sgt.s32 s19, $0x4C  }
0x23: {  	p1 =	slt.u32 s12, $0x2;
	s19 =	simm.s32 @p2 $0x0;
	p2 =	sne.s32 s12, s7  }
.Ltmp1:
0x24: {  	s18 =	simm.s32 @!p1 $0x2;
	(pc) =	sbr.rel @!p2 .LBB1_6-.Ltmp1, $4  }
0x25: {  	s15 =	smov.u32 s9;
	s14 =	smov.u32 s11;
	_ =	swait.ge @!p1 [sflag:s18], $0x4000  }
0x26: {  	p0 =	por !p0, !p0;
	[sflag:s18] =	ssyncset.done @!p1 $0x0;
	s9 =	smov.u32 s16  }
0x27: {  	s17 =	smov.u32 @p3 s2;
	[sflag:s18] =	ssyncadd.s32 @!p1 $0xFFFFC000;
	s13 =	smov.u32 s10  }
0x28: {  	s10 =	smov.u32 s17;
	s12 =	sadd.s32 $0x1, s12;
	s11 =	smov.u32 s19  }
.LBB1_1:
0x29: {  	p1 =	sge.u32 s12, s5;
	s31 =	sadd.s32 $0xFFFFFFFF, s12  }
0x2a: {  	s16 =	sxor.u32 @!p1 $0xFFFFFFFF, s12;
	s17 =	sand.u32 @!p1 $0x78, s9;
	s18 =	sshll.u32 @!p1 s10, $0xC  }
0x2b: {  	s19 =	sshll.u32 @!p1 s10, $0x7;
	s20 =	sshll.u32 @!p1 s9, $0x3;
	s16 =	sshll.u32 @!p1 s16, $0xE  }
0x2c: {  	s18 =	sand.u32 @!p1 $0xFF8000, s18;
	s19 =	sand.u32 @!p1 $0x380, s19;
	s16 =	sand.u32 @!p1 $0x4000, s16  }
0x2d: {  	s18 =	sadd.s32 @!p1 s18, s20;
	s20 =	sand.u32 @!p1 $0xC00, s20;
	s17 =	sor.u32 @!p1 s19, s17  }
0x2e: {  	s19 =	sshll.u32 @!p1 s11, $0x15;
	s17 =	sor.u32 @!p1 s20, s17;
	s18 =	sshrl.u32 @!p1 s18, $0x3  }
0x2f: {  	s19 =	sadd.s32 @!p1 s6, s19;
	s20 =	sand.u32 @!p1 $0x7, s9;
	s18 =	sand.u32 @!p1 $0x1FFE00, s18  }
0x30: {  	s17 =	sshrl.u32 @!p1 s17, $0x3;
	s18 =	sadd.s32 @!p1 s18, s19;
	s19 =	sshll.u32 @!p1 s20, $0x12  }
0x31: {  	s17 =	sadd.s32 @!p1 s17, s18;
	s18 =	sor.u32 @!p1 $0x400, s19;
	s19 =	simm.s32 @!p1 $0x8000  }
0x32: {  	[tilespmem:s16], [sflag:$0x1] =	stream.strided.gather @!p1 [hbm4b:s17+s18], $0x4000, s19, s18, $0x38;
	[tilespmem:$0x10100] =	vst v63  }
0x33: {  	p1 =	sge.u32 s31, s5  }
.Ltmp2:
0x34: {  	_ = 	snop;
	(pc) =	sbr.rel @p1 .LBB1_5-.Ltmp2, $1  }
0x35: {  	_ =	sdelay $0x3  }
0x36: {  	s16 =	simm.s32 $0x1  }
0x37: {  	_ =	swait.ge [sflag:s4], $0x4000;
	s16 =	simm.s32 @!p0 $0x0  }
0x38: {  	[sflag:s4] =	ssyncset.done $0x0;
	s17 =	sshll.u32 s16, $0xE  }
0x39: {  	[sflag:s4] =	ssyncadd.s32 $0xFFFFC000;
	s18 =	sor.u32 $0x40, s17  }
0x3a: {  	s16 =	smul.u32 $0x10200, s16;
	v0 =	vld [tilespmem:s18+$0x30]  }
0x3b: {  	v3 =	vld [tilespmem:s18+$0xFFFFFFD0]  }
0x3c: {  	s16 =	sshrl.u32 s16, $0x2;
	v4 =	vld [tilespmem:s18+$0xFFFFFFE0]  }
0x3d: {  	v5 =	vld [tilespmem:s18+$0xFFFFFFF0];
	s17 =	sor.u32 $0x8000, s16  }
0x3e: {  	s31 =	sand.u32 $0x1, s12;
	v1 =	vld [tilespmem:s18+$0x0];
	s19 =	sadd.s32 $0x0, s17  }
0x3f: {  	v2 =	vld [tilespmem:s18+$0x10];
	s16 =	smul.u32 $0x10200, s31;
	[tilespmem:s19+$0x3870 ss:$0x81] =	vst.msk $0xffff, v0  }
0x40: {  	[tilespmem:s19+$0x810 ss:$0x81] =	vst.msk $0xffff, v3;
	v3 =	vld [tilespmem:s18+$0x20]  }
0x41: {  	s16 =	sshrl.u32 s16, $0x2;
	v0 =	vld [tilespmem:s18+$0xFFFFFFC0];
	[tilespmem:s19+$0x1020 ss:$0x81] =	vst.msk $0xffff, v4;
	s18 =	sadd.s32 $0x80, s18  }
0x42: {  	s20 =	simm.s32 $0x4;
	s21 =	simm.s32 $0x8;
	s16 =	sor.u32 $0x8000, s16;
	[tilespmem:s19+$0x1830 ss:$0x81] =	vst.msk $0xffff, v5;
	v4 =	vld [tilespmem:s18+$0x30]  }
.LBB1_3:
0x43: {  	p1 =	sne.s32 s21, $0x1FC;
	v5 =	vld [tilespmem:s18+$0xFFFFFFD0];
	[tilespmem:s19+$0x2040 ss:$0x81] =	vst.msk $0xffff, v1  }
0x44: {  	v6 =	vld [tilespmem:s18+$0xFFFFFFE0];
	[tilespmem:s19+$0x2850 ss:$0x81] =	vst.msk $0xffff, v2  }
0x45: {  	s22 =	sshra.s32 s20, $0x2;
	s20 =	smov.u32 s21;
	v7 =	vld [tilespmem:s18+$0xFFFFFFF0];
	[tilespmem:s19+$0x3060 ss:$0x81] =	vst.msk $0xffff, v3  }
.Ltmp3:
0x46: {  	v1 =	vld [tilespmem:s18+$0x0];
	[tilespmem:s19+$0x0 ss:$0x81] =	vst.msk $0xffff, v0;
	s19 =	sadd.s32 s22, s17;
	(pc) =	sbr.rel @p1 .LBB1_3-.Ltmp3, $4  }
0x47: {  	v2 =	vld [tilespmem:s18+$0x10];
	[tilespmem:s19+$0x3870 ss:$0x81] =	vst.msk $0xffff, v4  }
0x48: {  	[tilespmem:s19+$0x810 ss:$0x81] =	vst.msk $0xffff, v5;
	v3 =	vld [tilespmem:s18+$0x20]  }
0x49: {  	v0 =	vld [tilespmem:s18+$0xFFFFFFC0];
	[tilespmem:s19+$0x1020 ss:$0x81] =	vst.msk $0xffff, v6;
	s18 =	sadd.s32 $0x80, s18  }
0x4a: {  	s21 =	sadd.s32 $0x4, s21;
	v4 =	vld [tilespmem:s18+$0x30];
	[tilespmem:s19+$0x1830 ss:$0x81] =	vst.msk $0xffff, v7  }
.Ltmp4:
0x4b: {  	_ = 	snop;
	(pc) =	sbr.rel .LBB1_4-.Ltmp4, $1  }
0x4c: {  	_ =	sdelay $0x3  }
.LBB1_6:
0x4d: {  	_ =	sfence.sel $0x180000  }
0x4e: {  	s2 =	simm.s32 $0x1;
	[bflag:$0x0] =	sbarrier.arrive $0xFFFF  }
0x4f: {  	s31 =	simm.s32 $0x2;
	[sflag:s2] =	ssyncpa.u1 $0x1  }
0x50: {  	[sflag:s31] =	ssyncpa.u1 $0x1  }
0x51: {  	p0 =	sne.s32 s0, $0x0;
	_ =	strace $0x9000004D  }
0x52: {  	s0 =	sadd.s32 @!p0 $0x100000, s1;
	[bflag:$0x2] =	sbarrier.arrive $0xFFFF  }
0x53: {  	[sflag:s0] =	ssyncadd.tile.s32 @!p0 $0x1;
	_ =	shalt  }
.Lfunc_end1:
_tile_overlayer_lowered:
.L_overlay_start_2:
0x54: {  	(tag) =	ssettag $0x2  }
0x55: {  	s0 =	rddreg [dreg:$0x0];
	s2 =	stileid.u32  }
0x56: {  	s1 =	rddreg [dreg:$0x1];
	p0 =	sne.s32 s2, $0x0  }
0x57: {  	s3 =	rddreg [dreg:$0x2];
	[bflag:$0x3] =	sbarrier.arrive $0xFFFF;
	s2 =	simm.s32 @!p0 $0x1C01  }
0x58: {  	[timem:s3], [sflag:s2] =	dma.local @!p0 [hbm:s0], s1  }
0x59: {  	s0 =	simm.s32 @!p0 $0x1  }
0x5a: {  	_ =	swait.ge @!p0 [sflag:s0], s1  }
0x5b: {  	s1 =	ssub.s32 @!p0 $0x0, s1;
	[sflag:s0] =	ssyncset.done @!p0 $0x0  }
0x5c: {  	[sflag:s0] =	ssyncadd.s32 @!p0 s1  }
0x5d: {  	[bflag:$0x3] =	sbarrier.arrive $0xFFFF  }
0x5e: {  	_ =	shalt  }

</sc_bundles>
